<compile_context>
chip_gen: v7x
topology: tpu7x:2x2x1
jax: 0.10.2.dev20260603
libtpu: 0.0.44.dev20260713+nightly
codegen_flags: <defaults>
</compile_context>

<pallas_src>
import functools

import jax
import jax.numpy as jnp
from jax import lax
from jax.experimental import pallas as pl
from jax.experimental.pallas import tpu as pltpu
from jax.experimental.pallas import tpu_sc as plsc

N = 10000
E = 320000
D = 128

NC = 2
NS = 16
NW = NC * NS
K = 128
C = 79
EPADH = NW * C * K - E
K2 = 48
C2 = 212
EPAD = NW * C2 * K2 - E
PAD_NODE = N
HW = 16
NP = 10240
RT = NP // NS

_mesh = plsc.VectorSubcoreMesh(core_axis_name="c", subcore_axis_name="s")


@functools.partial(
    pl.kernel,
    out_type=jax.ShapeDtypeStruct((NC, NP, HW), jnp.float32),
    mesh=_mesh,
    compiler_params=pltpu.CompilerParams(use_tc_tiling_on_sc=False),
    scratch_types=[
        pltpu.VMEM((C, K), jnp.int32),
        pltpu.VMEM((K, HW), jnp.float32),
        pltpu.VMEM((K, HW), jnp.float32),
        pltpu.VMEM_SHARED((NP, HW), jnp.float32),
        pltpu.SemaphoreType.DMA,
    ],
)
def _degree_hist(dst_hbm, ones_hbm, out_hbm, idx_v, ones_v, zero_v,
                 hist_sh, sem):
    cid = lax.axis_index("c")
    sid = lax.axis_index("s")
    wid = sid * NC + cid
    zero16 = jnp.zeros((16,), jnp.float32)

    def zfill(t, carry):
        zero_v[t, :] = zero16
        return carry

    lax.fori_loop(0, K, zfill, 0)
    for j in range(RT // K):
        pltpu.sync_copy(zero_v, hist_sh.at[pl.ds(sid * RT + j * K, K)])
    pltpu.sync_copy(ones_hbm, ones_v)
    pltpu.sync_copy(dst_hbm.at[wid], idx_v)
    plsc.subcore_barrier()

    W = 8
    for c in range(W):
        pltpu.async_copy(ones_v, hist_sh.at[idx_v.at[c]], sem, add=True)

    def step(c, carry):
        pltpu.make_async_copy(ones_v, hist_sh.at[idx_v.at[0]], sem).wait()
        pltpu.async_copy(ones_v, hist_sh.at[idx_v.at[c + W]], sem, add=True)
        return carry

    lax.fori_loop(0, C - W, step, 0)
    for c in range(W):
        pltpu.make_async_copy(ones_v, hist_sh.at[idx_v.at[0]], sem).wait()
    plsc.subcore_barrier()
    pltpu.sync_copy(hist_sh.at[pl.ds(sid * RT, RT)],
                    out_hbm.at[cid, pl.ds(sid * RT, RT), :])


@functools.partial(
    pl.kernel,
    out_type=jax.ShapeDtypeStruct((NC, NP, D), jnp.float32),
    mesh=_mesh,
    compiler_params=pltpu.CompilerParams(use_tc_tiling_on_sc=False),
    scratch_types=[
        pltpu.VMEM((C2, K2), jnp.int32),
        pltpu.VMEM((C2, K2), jnp.int32),
        pltpu.VMEM((K2, D), jnp.float32),
        pltpu.VMEM((K2, D), jnp.float32),
        pltpu.VMEM((K2, D), jnp.float32),
        pltpu.VMEM((K2, D), jnp.float32),
        pltpu.VMEM_SHARED((NP, D), jnp.float32),
        pltpu.SemaphoreType.DMA,
        pltpu.SemaphoreType.DMA,
        pltpu.SemaphoreType.DMA,
        pltpu.SemaphoreType.DMA,
    ],
)
def _aggregate(src_hbm, dst_hbm, hs_hbm, out_hbm, src_v, dst_v,
               rows0, rows1, rows2, rows3, acc_sh, sem0, sem1, sem2, sem3):
    cid = lax.axis_index("c")
    sid = lax.axis_index("s")
    wid = sid * NC + cid
    @pl.when(cid == 0)
    def _():
        pltpu.sync_copy(hs_hbm.at[pl.ds(sid * RT, RT)],
                        acc_sh.at[pl.ds(sid * RT, RT)])

    @pl.when(cid == 1)
    def _():
        zero16 = jnp.zeros((16,), jnp.float32)

        def zfill(t, carry):
            rows0[t // 8, pl.ds((t % 8) * 16, 16)] = zero16
            return carry

        lax.fori_loop(0, K2 * 8, zfill, 0)
        for j in range(RT // K2):
            pltpu.sync_copy(rows0, acc_sh.at[pl.ds(sid * RT + j * K2, K2)])
        rem = RT - (RT // K2) * K2
        if rem:
            pltpu.sync_copy(rows0.at[pl.ds(0, rem)],
                            acc_sh.at[pl.ds(sid * RT + RT - rem, rem)])

    pltpu.sync_copy(src_hbm.at[wid], src_v)
    pltpu.sync_copy(dst_hbm.at[wid], dst_v)
    plsc.subcore_barrier()

    def gstart(c, rows, sem):
        pltpu.async_copy(hs_hbm.at[src_v.at[c]], rows, sem)

    def gwait(c, rows, sem):
        pltpu.make_async_copy(hs_hbm.at[src_v.at[c]], rows, sem).wait()

    def scat(c, rows):
        pltpu.sync_copy(rows, acc_sh.at[dst_v.at[c]], add=True)

    bufs = ((rows0, sem0), (rows1, sem1), (rows2, sem2), (rows3, sem3))
    RD = len(bufs)
    for j, (rows, sem) in enumerate(bufs):
        gstart(j, rows, sem)

    def step(i, carry):
        c = RD * i
        for j, (rows, sem) in enumerate(bufs):
            gwait(c + j, rows, sem)

            @pl.when(c + j + RD < C2)
            def _():
                gstart(c + j + RD, rows, sem)

            scat(c + j, rows)
        return carry

    lax.fori_loop(0, C2 // RD, step, 0)
    plsc.subcore_barrier()
    pltpu.sync_copy(acc_sh.at[pl.ds(sid * RT, RT)],
                    out_hbm.at[cid, pl.ds(sid * RT, RT), :])


BN = 5000


def _scaled_mm_body(x_ref, w_ref, b_ref, h_ref, out_ref):
    h = h_ref[...]
    deg = h[0, :, 0] + h[1, :, 0] + 1.0
    dis = lax.rsqrt(deg)
    y = jnp.dot(x_ref[...], w_ref[...], preferred_element_type=jnp.float32)
    out_ref[...] = dis[:, None] * (y + b_ref[...])


def _epilogue_body(a0_ref, a1_ref, h_ref, out_ref):
    h = h_ref[...]
    deg = h[0, :, 0] + h[1, :, 0] + 1.0
    dis = lax.rsqrt(deg)
    s = a0_ref[...] + a1_ref[...]
    out_ref[...] = jnp.maximum(dis[:, None] * s, 0.0)


def kernel(node_feats, adj, is_training, w, b):
    del is_training
    padh = PAD_NODE + (jnp.arange(EPADH, dtype=jnp.int32) % (NP - N))
    dst3 = jnp.concatenate([adj[1], padh]).reshape(NW, C, K)
    pad = PAD_NODE + (jnp.arange(EPAD, dtype=jnp.int32) % (NP - N))
    srcp = jnp.concatenate([adj[0], pad]).reshape(NW, C2, K2)
    dstp = jnp.concatenate([adj[1], pad]).reshape(NW, C2, K2)
    ones = jnp.ones((K, HW), jnp.float32)

    hist = _degree_hist(dst3, ones)

    hs = pl.pallas_call(
        _scaled_mm_body,
        grid=(N // BN,),
        in_specs=[
            pl.BlockSpec((BN, D), lambda i: (i, 0)),
            pl.BlockSpec((D, D), lambda i: (0, 0)),
            pl.BlockSpec((1, D), lambda i: (0, 0)),
            pl.BlockSpec((NC, BN, HW), lambda i: (0, i, 0)),
        ],
        out_specs=pl.BlockSpec((BN, D), lambda i: (i, 0)),
        out_shape=jax.ShapeDtypeStruct((NP, D), jnp.float32),
    )(node_feats, w, b.reshape(1, D), hist)

    acc = _aggregate(srcp, dstp, hs)

    out = pl.pallas_call(
        _epilogue_body,
        grid=(N // BN,),
        in_specs=[
            pl.BlockSpec((BN, D), lambda i: (i, 0)),
            pl.BlockSpec((BN, D), lambda i: (i, 0)),
            pl.BlockSpec((NC, BN, HW), lambda i: (0, i, 0)),
        ],
        out_specs=pl.BlockSpec((BN, D), lambda i: (i, 0)),
        out_shape=jax.ShapeDtypeStruct((N, D), jnp.float32),
    )(acc[0], acc[1], hist)
    return out

# --- scband reference (transcript-rebuilt; emitter-appended) ---
"""Pipeline reference for scband-sparse-gcnlayer-88046829568818 (READ-ONLY COPY).

The authoritative reference and input builder live on the scoring server;
editing this copy changes nothing except your own understanding.
"""

import jax, jax.numpy as jnp
import numpy as np

N = 10000
E = 320000
D_IN = 128
D_OUT = 128


def setup_inputs(seed: int = 0) -> dict:
    key = jax.random.key(seed)
    k1, k2, k3, k4 = jax.random.split(key, 4)
    node_feats = jax.random.normal(k1, (N, D_IN), dtype=jnp.float32)
    adj = jax.random.randint(k2, (2, E), 0, N, dtype=jnp.int32)
    # learned parameters sized per init_kwargs (in_feats=128, out_feats=128)
    w = jax.random.normal(k3, (D_IN, D_OUT), dtype=jnp.float32) * np.sqrt(2.0 / D_IN)
    b = jax.random.normal(k4, (D_OUT,), dtype=jnp.float32)
    return {"node_feats": node_feats, "adj": adj, "is_training": False, "w": w, "b": b}


def reference(node_feats, adj, is_training, w, b):
    # Faithful translation of SparseGCNLayer.__call__ with bias=True,
    # normalize=True, batch_norm=False, dropout=0.0, activation=relu.
    num_nodes = node_feats.shape[0]
    new_node_feats = jnp.dot(node_feats, w)
    new_node_feats = new_node_feats + b
    # normalize=True branch: add self-loops, symmetric-normalized aggregation
    self_loop = jnp.tile(jnp.arange(num_nodes, dtype=adj.dtype), (2, 1))
    adj_sl = jnp.concatenate((adj, self_loop), axis=1)
    src_idx, dest_idx = adj_sl[0], adj_sl[1]
    degree = jax.ops.segment_sum(
        jnp.ones(src_idx.shape[0], dtype=jnp.float32), dest_idx, num_segments=num_nodes
    )
    degree = jnp.where(degree == 0.0, 1.0, degree)
    deg_inv_sqrt = jax.lax.pow(degree, -0.5)
    norm = deg_inv_sqrt[src_idx] * deg_inv_sqrt[dest_idx]
    source_feats = jnp.take(new_node_feats, src_idx, axis=0)
    source_feats = norm.reshape(-1, 1) * source_feats
    new_node_feats = jax.ops.segment_sum(source_feats, dest_idx, num_segments=num_nodes)
    new_node_feats = jax.nn.relu(new_node_feats)
    # dropout == 0.0 (is_training=False) and batch_norm=False: no-ops
    return new_node_feats

if __name__ == "__main__":
    import jax
    _d = setup_inputs()
    print(jax.jit(kernel)(*tuple(_d.values())))

</pallas_src>

<mosaic_0001>
#map = affine_map<(d0, d1) -> (0, 0, 0)>
#map1 = affine_map<(d0, d1) -> (0, 0)>
module attributes {stable_mosaic.version = 14 : i64} {
  func.func @_aggregate(%arg0: i32, %arg1: i32, %arg2: memref<32x212x48xi32, #tpu.memory_space<hbm>>, %arg3: memref<32x212x48xi32, #tpu.memory_space<hbm>>, %arg4: memref<10240x128xf32, #tpu.memory_space<hbm>>, %arg5: memref<2x10240x128xf32, #tpu.memory_space<hbm>>, %arg6: memref<212x48xi32, #tpu.memory_space<vmem>>, %arg7: memref<212x48xi32, #tpu.memory_space<vmem>>, %arg8: memref<48x128xf32, #tpu.memory_space<vmem>>, %arg9: memref<48x128xf32, #tpu.memory_space<vmem>>, %arg10: memref<48x128xf32, #tpu.memory_space<vmem>>, %arg11: memref<48x128xf32, #tpu.memory_space<vmem>>, %arg12: memref<10240x128xf32, #tpu.memory_space<vmem_shared>>, %arg13: memref<!tpu.dma_semaphore, #tpu.memory_space<semaphore_mem>>, %arg14: memref<!tpu.dma_semaphore, #tpu.memory_space<semaphore_mem>>, %arg15: memref<!tpu.dma_semaphore, #tpu.memory_space<semaphore_mem>>, %arg16: memref<!tpu.dma_semaphore, #tpu.memory_space<semaphore_mem>>) attributes {dimension_semantics = [#tpu.dimension_semantics<core_parallel>, #tpu.dimension_semantics<subcore_parallel>], iteration_bounds = array<i64: 2, 16>, scalar_prefetch = 0 : i64, scratch_operands = 11 : i64, tpu.core_type = #tpu.core_type<sc_vector_subcore>, window_params = [{transform_indices = #map}, {transform_indices = #map}, {transform_indices = #map1}, {transform_indices = #map}]} {
    %mul3A = arith.constant 2 : i32
    %mul3A_0 = arith.muli %arg1, %mul3A : i32
    %add3A = arith.addi %mul3A_0, %arg0 : i32
    %eq3A = arith.constant 0 : i32
    %eq3A_1 = arith.cmpi eq, %arg0, %eq3A : i32
    %convert_element_type3A = arith.extui %eq3A_1 : i1 to i32
    %cond3A = arith.constant 0 : i32
    %cond3A_2 = arith.cmpi ne, %convert_element_type3A, %cond3A : i32
    scf.if %cond3A_2 {
      %mul3A_45 = arith.constant 640 : i32
      %mul3A_46 = arith.muli %arg1, %mul3A_45 : i32
      %mul3A_47 = arith.constant 640 : i32
      %mul3A_48 = arith.muli %arg1, %mul3A_47 : i32
      "tpu.region"() ({
        %run_scoped3A = tpu.sem_alloc : memref<!tpu.dma_semaphore, #tpu.memory_space<semaphore_mem>>
        %dma_start3A_49 = arith.constant 0 : i32
        %dma_start3A_50 = tpu.memref_slice %arg12[%mul3A_48, %dma_start3A_49] : memref<10240x128xf32, #tpu.memory_space<vmem_shared>> -> memref<640x128xf32, #tpu.memory_space<vmem_shared>>
        %dma_start3A_51 = arith.constant 0 : i32
        %dma_start3A_52 = tpu.memref_slice %arg4[%mul3A_46, %dma_start3A_51] : memref<10240x128xf32, #tpu.memory_space<hbm>> -> memref<640x128xf32, #tpu.memory_space<hbm>>
        tpu.enqueue_dma source(%dma_start3A_52 : memref<640x128xf32, #tpu.memory_space<hbm>>) target(%dma_start3A_50 : memref<640x128xf32, #tpu.memory_space<vmem_shared>>) target_semaphore(%run_scoped3A : memref<!tpu.dma_semaphore, #tpu.memory_space<semaphore_mem>>)
        %dma_wait3A = arith.constant 0 : i32
        %dma_wait3A_53 = tpu.memref_slice %arg12[%mul3A_48, %dma_wait3A] : memref<10240x128xf32, #tpu.memory_space<vmem_shared>> -> memref<640x128xf32, #tpu.memory_space<vmem_shared>>
        %dma_wait3A_54 = arith.constant 0 : i32
        %dma_wait3A_55 = tpu.memref_slice %arg4[%mul3A_46, %dma_wait3A_54] : memref<10240x128xf32, #tpu.memory_space<hbm>> -> memref<640x128xf32, #tpu.memory_space<hbm>>
        tpu.wait_dma2 semaphore(%run_scoped3A : memref<!tpu.dma_semaphore, #tpu.memory_space<semaphore_mem>>) src(%dma_wait3A_55 : memref<640x128xf32, #tpu.memory_space<hbm>>) dst(%dma_wait3A_53 : memref<640x128xf32, #tpu.memory_space<vmem_shared>>)
        tpu.yield
      }) : () -> ()
    } else {
    }
    %eq3A_3 = arith.constant 1 : i32
    %eq3A_4 = arith.cmpi eq, %arg0, %eq3A_3 : i32
    %convert_element_type3A_5 = arith.extui %eq3A_4 : i1 to i32
    %cond3A_6 = arith.constant 0 : i32
    %cond3A_7 = arith.cmpi ne, %convert_element_type3A_5, %cond3A_6 : i32
    scf.if %cond3A_7 {
      %broadcast_in_dim3A = arith.constant 0.000000e+00 : f32
      %broadcast_in_dim3A_45 = vector.broadcast %broadcast_in_dim3A : f32 to vector<16xf32>
      %scan3A_46 = arith.constant 0 : i32
      %scan3A_47 = arith.constant 0 : i32
      %scan3A_48 = arith.constant 384 : i32
      %scan3A_49 = arith.addi %scan3A_47, %scan3A_48 : i32
      %scan3A_50 = arith.constant 1 : i32
      scf.for %scan3A_109 = %scan3A_47 to %scan3A_49 step %scan3A_50  : i32 {
        %jit3A = arith.constant 8 : i32
        %div3A = arith.divsi %scan3A_109, %jit3A : i32
        %sign3A = arith.constant 0 : i32
        %sign3A_110 = arith.cmpi sgt, %scan3A_109, %sign3A : i32
        %sign3A_111 = arith.extui %sign3A_110 : i1 to i32
        %sign3A_112 = arith.constant 0 : i32
        %sign3A_113 = arith.cmpi slt, %scan3A_109, %sign3A_112 : i32
        %sign3A_114 = arith.extui %sign3A_113 : i1 to i32
        %sign3A_115 = arith.subi %sign3A_111, %sign3A_114 : i32
        %sign3A_116 = arith.constant 0 : i32
        %sign3A_117 = arith.cmpi sgt, %jit3A, %sign3A_116 : i32
        %sign3A_118 = arith.extui %sign3A_117 : i1 to i32
        %sign3A_119 = arith.constant 0 : i32
        %sign3A_120 = arith.cmpi slt, %jit3A, %sign3A_119 : i32
        %sign3A_121 = arith.extui %sign3A_120 : i1 to i32
        %sign3A_122 = arith.subi %sign3A_118, %sign3A_121 : i32
        %ne3A = arith.cmpi ne, %sign3A_115, %sign3A_122 : i32
        %rem3A = arith.remsi %scan3A_109, %jit3A : i32
        %ne3A_123 = arith.constant 0 : i32
        %ne3A_124 = arith.cmpi ne, %rem3A, %ne3A_123 : i32
        %and3A = arith.andi %ne3A, %ne3A_124 : i1
        %sub3A_125 = arith.constant 1 : i32
        %sub3A_126 = arith.subi %div3A, %sub3A_125 : i32
        %select_n3A = arith.select %and3A, %sub3A_126, %div3A : i32
        %jit3A_127 = arith.constant 8 : i32
        %eq3A_128 = arith.constant 0 : i32
        %eq3A_129 = arith.cmpi eq, %jit3A_127, %eq3A_128 : i32
        %jit3A_130 = arith.constant 1 : i32
        %select_n3A_131 = arith.select %eq3A_129, %jit3A_130, %jit3A_127 : i32
        %rem3A_132 = arith.remsi %scan3A_109, %select_n3A_131 : i32
        %ne3A_133 = arith.constant 0 : i32
        %ne3A_134 = arith.cmpi ne, %rem3A_132, %ne3A_133 : i32
        %lt3A = arith.constant 0 : i32
        %lt3A_135 = arith.cmpi slt, %rem3A_132, %lt3A : i32
        %lt3A_136 = arith.constant 0 : i32
        %lt3A_137 = arith.cmpi slt, %select_n3A_131, %lt3A_136 : i32
        %ne3A_138 = arith.xori %lt3A_135, %lt3A_137 : i1
        %and3A_139 = arith.andi %ne3A_138, %ne3A_134 : i1
        %add3A_140 = arith.addi %rem3A_132, %select_n3A_131 : i32
        %select_n3A_141 = arith.select %and3A_139, %add3A_140, %rem3A_132 : i32
        %mul3A_142 = arith.constant 16 : i32
        %mul3A_143 = arith.muli %select_n3A_141, %mul3A_142 : i32
        %swap3A = arith.index_cast %select_n3A : i32 to index
        %swap3A_144 = arith.index_cast %mul3A_143 : i32 to index
        %swap3A_145 = tpu.vector_load %arg8[%swap3A, %swap3A_144] {strides = array<i32>} : memref<48x128xf32, #tpu.memory_space<vmem>>, vector<1x16xf32>,
        %swap3A_146 = vector.shape_cast %swap3A_145 : vector<1x16xf32> to vector<16xf32>
        %swap3A_147 = vector.shape_cast %broadcast_in_dim3A_45 : vector<16xf32> to vector<1x16xf32>
        tpu.vector_store %arg8[%swap3A, %swap3A_144], %swap3A_147 {strides = array<i32>} : memref<48x128xf32, #tpu.memory_space<vmem>>, vector<1x16xf32>,
      }
      %scan3A_51 = arith.constant 384 : i32
      %mul3A_52 = arith.constant 640 : i32
      %mul3A_53 = arith.muli %arg1, %mul3A_52 : i32
      %add3A_54 = arith.constant 0 : i32
      %add3A_55 = arith.addi %mul3A_53, %add3A_54 : i32
      "tpu.region"() ({
        %run_scoped3A = tpu.sem_alloc : memref<!tpu.dma_semaphore, #tpu.memory_space<semaphore_mem>>
        %dma_start3A_109 = arith.constant 0 : i32
        %dma_start3A_110 = tpu.memref_slice %arg12[%add3A_55, %dma_start3A_109] : memref<10240x128xf32, #tpu.memory_space<vmem_shared>> -> memref<48x128xf32, #tpu.memory_space<vmem_shared>>
        %dma_start3A_111 = arith.constant 0 : i32
        %dma_start3A_112 = tpu.memref_slice %arg12[%add3A_55, %dma_start3A_111] : memref<10240x128xf32, #tpu.memory_space<vmem_shared>> -> memref<48x128xf32, #tpu.memory_space<vmem_shared>>
        tpu.enqueue_dma source(%arg8 : memref<48x128xf32, #tpu.memory_space<vmem>>) target(%dma_start3A_112 : memref<48x128xf32, #tpu.memory_space<vmem_shared>>) target_semaphore(%run_scoped3A : memref<!tpu.dma_semaphore, #tpu.memory_space<semaphore_mem>>)
        %dma_wait3A = arith.constant 0 : i32
        %dma_wait3A_113 = tpu.memref_slice %arg12[%add3A_55, %dma_wait3A] : memref<10240x128xf32, #tpu.memory_space<vmem_shared>> -> memref<48x128xf32, #tpu.memory_space<vmem_shared>>
        %dma_wait3A_114 = arith.constant 0 : i32
        %dma_wait3A_115 = tpu.memref_slice %arg12[%add3A_55, %dma_wait3A_114] : memref<10240x128xf32, #tpu.memory_space<vmem_shared>> -> memref<48x128xf32, #tpu.memory_space<vmem_shared>>
        tpu.wait_dma2 semaphore(%run_scoped3A : memref<!tpu.dma_semaphore, #tpu.memory_space<semaphore_mem>>) src(%arg8 : memref<48x128xf32, #tpu.memory_space<vmem>>) dst(%dma_wait3A_115 : memref<48x128xf32, #tpu.memory_space<vmem_shared>>)
        tpu.yield
      }) : () -> ()
      %mul3A_56 = arith.constant 640 : i32
      %mul3A_57 = arith.muli %arg1, %mul3A_56 : i32
      %add3A_58 = arith.constant 48 : i32
      %add3A_59 = arith.addi %mul3A_57, %add3A_58 : i32
      "tpu.region"() ({
        %run_scoped3A = tpu.sem_alloc : memref<!tpu.dma_semaphore, #tpu.memory_space<semaphore_mem>>
        %dma_start3A_109 = arith.constant 0 : i32
        %dma_start3A_110 = tpu.memref_slice %arg12[%add3A_59, %dma_start3A_109] : memref<10240x128xf32, #tpu.memory_space<vmem_shared>> -> memref<48x128xf32, #tpu.memory_space<vmem_shared>>
        %dma_start3A_111 = arith.constant 0 : i32
        %dma_start3A_112 = tpu.memref_slice %arg12[%add3A_59, %dma_start3A_111] : memref<10240x128xf32, #tpu.memory_space<vmem_shared>> -> memref<48x128xf32, #tpu.memory_space<vmem_shared>>
        tpu.enqueue_dma source(%arg8 : memref<48x128xf32, #tpu.memory_space<vmem>>) target(%dma_start3A_112 : memref<48x128xf32, #tpu.memory_space<vmem_shared>>) target_semaphore(%run_scoped3A : memref<!tpu.dma_semaphore, #tpu.memory_space<semaphore_mem>>)
        %dma_wait3A = arith.constant 0 : i32
        %dma_wait3A_113 = tpu.memref_slice %arg12[%add3A_59, %dma_wait3A] : memref<10240x128xf32, #tpu.memory_space<vmem_shared>> -> memref<48x128xf32, #tpu.memory_space<vmem_shared>>
        %dma_wait3A_114 = arith.constant 0 : i32
        %dma_wait3A_115 = tpu.memref_slice %arg12[%add3A_59, %dma_wait3A_114] : memref<10240x128xf32, #tpu.memory_space<vmem_shared>> -> memref<48x128xf32, #tpu.memory_space<vmem_shared>>
        tpu.wait_dma2 semaphore(%run_scoped3A : memref<!tpu.dma_semaphore, #tpu.memory_space<semaphore_mem>>) src(%arg8 : memref<48x128xf32, #tpu.memory_space<vmem>>) dst(%dma_wait3A_115 : memref<48x128xf32, #tpu.memory_space<vmem_shared>>)
        tpu.yield
      }) : () -> ()
      %mul3A_60 = arith.constant 640 : i32
      %mul3A_61 = arith.muli %arg1, %mul3A_60 : i32
      %add3A_62 = arith.constant 96 : i32
      %add3A_63 = arith.addi %mul3A_61, %add3A_62 : i32
      "tpu.region"() ({
        %run_scoped3A = tpu.sem_alloc : memref<!tpu.dma_semaphore, #tpu.memory_space<semaphore_mem>>
        %dma_start3A_109 = arith.constant 0 : i32
        %dma_start3A_110 = tpu.memref_slice %arg12[%add3A_63, %dma_start3A_109] : memref<10240x128xf32, #tpu.memory_space<vmem_shared>> -> memref<48x128xf32, #tpu.memory_space<vmem_shared>>
        %dma_start3A_111 = arith.constant 0 : i32
        %dma_start3A_112 = tpu.memref_slice %arg12[%add3A_63, %dma_start3A_111] : memref<10240x128xf32, #tpu.memory_space<vmem_shared>> -> memref<48x128xf32, #tpu.memory_space<vmem_shared>>
        tpu.enqueue_dma source(%arg8 : memref<48x128xf32, #tpu.memory_space<vmem>>) target(%dma_start3A_112 : memref<48x128xf32, #tpu.memory_space<vmem_shared>>) target_semaphore(%run_scoped3A : memref<!tpu.dma_semaphore, #tpu.memory_space<semaphore_mem>>)
        %dma_wait3A = arith.constant 0 : i32
        %dma_wait3A_113 = tpu.memref_slice %arg12[%add3A_63, %dma_wait3A] : memref<10240x128xf32, #tpu.memory_space<vmem_shared>> -> memref<48x128xf32, #tpu.memory_space<vmem_shared>>
        %dma_wait3A_114 = arith.constant 0 : i32
        %dma_wait3A_115 = tpu.memref_slice %arg12[%add3A_63, %dma_wait3A_114] : memref<10240x128xf32, #tpu.memory_space<vmem_shared>> -> memref<48x128xf32, #tpu.memory_space<vmem_shared>>
        tpu.wait_dma2 semaphore(%run_scoped3A : memref<!tpu.dma_semaphore, #tpu.memory_space<semaphore_mem>>) src(%arg8 : memref<48x128xf32, #tpu.memory_space<vmem>>) dst(%dma_wait3A_115 : memref<48x128xf32, #tpu.memory_space<vmem_shared>>)
        tpu.yield
      }) : () -> ()
      %mul3A_64 = arith.constant 640 : i32
      %mul3A_65 = arith.muli %arg1, %mul3A_64 : i32
      %add3A_66 = arith.constant 144 : i32
      %add3A_67 = arith.addi %mul3A_65, %add3A_66 : i32
      "tpu.region"() ({
        %run_scoped3A = tpu.sem_alloc : memref<!tpu.dma_semaphore, #tpu.memory_space<semaphore_mem>>
        %dma_start3A_109 = arith.constant 0 : i32
        %dma_start3A_110 = tpu.memref_slice %arg12[%add3A_67, %dma_start3A_109] : memref<10240x128xf32, #tpu.memory_space<vmem_shared>> -> memref<48x128xf32, #tpu.memory_space<vmem_shared>>
        %dma_start3A_111 = arith.constant 0 : i32
        %dma_start3A_112 = tpu.memref_slice %arg12[%add3A_67, %dma_start3A_111] : memref<10240x128xf32, #tpu.memory_space<vmem_shared>> -> memref<48x128xf32, #tpu.memory_space<vmem_shared>>
        tpu.enqueue_dma source(%arg8 : memref<48x128xf32, #tpu.memory_space<vmem>>) target(%dma_start3A_112 : memref<48x128xf32, #tpu.memory_space<vmem_shared>>) target_semaphore(%run_scoped3A : memref<!tpu.dma_semaphore, #tpu.memory_space<semaphore_mem>>)
        %dma_wait3A = arith.constant 0 : i32
        %dma_wait3A_113 = tpu.memref_slice %arg12[%add3A_67, %dma_wait3A] : memref<10240x128xf32, #tpu.memory_space<vmem_shared>> -> memref<48x128xf32, #tpu.memory_space<vmem_shared>>
        %dma_wait3A_114 = arith.constant 0 : i32
        %dma_wait3A_115 = tpu.memref_slice %arg12[%add3A_67, %dma_wait3A_114] : memref<10240x128xf32, #tpu.memory_space<vmem_shared>> -> memref<48x128xf32, #tpu.memory_space<vmem_shared>>
        tpu.wait_dma2 semaphore(%run_scoped3A : memref<!tpu.dma_semaphore, #tpu.memory_space<semaphore_mem>>) src(%arg8 : memref<48x128xf32, #tpu.memory_space<vmem>>) dst(%dma_wait3A_115 : memref<48x128xf32, #tpu.memory_space<vmem_shared>>)
        tpu.yield
      }) : () -> ()
      %mul3A_68 = arith.constant 640 : i32
      %mul3A_69 = arith.muli %arg1, %mul3A_68 : i32
      %add3A_70 = arith.constant 192 : i32
      %add3A_71 = arith.addi %mul3A_69, %add3A_70 : i32
      "tpu.region"() ({
        %run_scoped3A = tpu.sem_alloc : memref<!tpu.dma_semaphore, #tpu.memory_space<semaphore_mem>>
        %dma_start3A_109 = arith.constant 0 : i32
        %dma_start3A_110 = tpu.memref_slice %arg12[%add3A_71, %dma_start3A_109] : memref<10240x128xf32, #tpu.memory_space<vmem_shared>> -> memref<48x128xf32, #tpu.memory_space<vmem_shared>>
        %dma_start3A_111 = arith.constant 0 : i32
        %dma_start3A_112 = tpu.memref_slice %arg12[%add3A_71, %dma_start3A_111] : memref<10240x128xf32, #tpu.memory_space<vmem_shared>> -> memref<48x128xf32, #tpu.memory_space<vmem_shared>>
        tpu.enqueue_dma source(%arg8 : memref<48x128xf32, #tpu.memory_space<vmem>>) target(%dma_start3A_112 : memref<48x128xf32, #tpu.memory_space<vmem_shared>>) target_semaphore(%run_scoped3A : memref<!tpu.dma_semaphore, #tpu.memory_space<semaphore_mem>>)
        %dma_wait3A = arith.constant 0 : i32
        %dma_wait3A_113 = tpu.memref_slice %arg12[%add3A_71, %dma_wait3A] : memref<10240x128xf32, #tpu.memory_space<vmem_shared>> -> memref<48x128xf32, #tpu.memory_space<vmem_shared>>
        %dma_wait3A_114 = arith.constant 0 : i32
        %dma_wait3A_115 = tpu.memref_slice %arg12[%add3A_71, %dma_wait3A_114] : memref<10240x128xf32, #tpu.memory_space<vmem_shared>> -> memref<48x128xf32, #tpu.memory_space<vmem_shared>>
        tpu.wait_dma2 semaphore(%run_scoped3A : memref<!tpu.dma_semaphore, #tpu.memory_space<semaphore_mem>>) src(%arg8 : memref<48x128xf32, #tpu.memory_space<vmem>>) dst(%dma_wait3A_115 : memref<48x128xf32, #tpu.memory_space<vmem_shared>>)
        tpu.yield
      }) : () -> ()
      %mul3A_72 = arith.constant 640 : i32
      %mul3A_73 = arith.muli %arg1, %mul3A_72 : i32
      %add3A_74 = arith.constant 240 : i32
      %add3A_75 = arith.addi %mul3A_73, %add3A_74 : i32
      "tpu.region"() ({
        %run_scoped3A = tpu.sem_alloc : memref<!tpu.dma_semaphore, #tpu.memory_space<semaphore_mem>>
        %dma_start3A_109 = arith.constant 0 : i32
        %dma_start3A_110 = tpu.memref_slice %arg12[%add3A_75, %dma_start3A_109] : memref<10240x128xf32, #tpu.memory_space<vmem_shared>> -> memref<48x128xf32, #tpu.memory_space<vmem_shared>>
        %dma_start3A_111 = arith.constant 0 : i32
        %dma_start3A_112 = tpu.memref_slice %arg12[%add3A_75, %dma_start3A_111] : memref<10240x128xf32, #tpu.memory_space<vmem_shared>> -> memref<48x128xf32, #tpu.memory_space<vmem_shared>>
        tpu.enqueue_dma source(%arg8 : memref<48x128xf32, #tpu.memory_space<vmem>>) target(%dma_start3A_112 : memref<48x128xf32, #tpu.memory_space<vmem_shared>>) target_semaphore(%run_scoped3A : memref<!tpu.dma_semaphore, #tpu.memory_space<semaphore_mem>>)
        %dma_wait3A = arith.constant 0 : i32
        %dma_wait3A_113 = tpu.memref_slice %arg12[%add3A_75, %dma_wait3A] : memref<10240x128xf32, #tpu.memory_space<vmem_shared>> -> memref<48x128xf32, #tpu.memory_space<vmem_shared>>
        %dma_wait3A_114 = arith.constant 0 : i32
        %dma_wait3A_115 = tpu.memref_slice %arg12[%add3A_75, %dma_wait3A_114] : memref<10240x128xf32, #tpu.memory_space<vmem_shared>> -> memref<48x128xf32, #tpu.memory_space<vmem_shared>>
        tpu.wait_dma2 semaphore(%run_scoped3A : memref<!tpu.dma_semaphore, #tpu.memory_space<semaphore_mem>>) src(%arg8 : memref<48x128xf32, #tpu.memory_space<vmem>>) dst(%dma_wait3A_115 : memref<48x128xf32, #tpu.memory_space<vmem_shared>>)
        tpu.yield
      }) : () -> ()
      %mul3A_76 = arith.constant 640 : i32
      %mul3A_77 = arith.muli %arg1, %mul3A_76 : i32
      %add3A_78 = arith.constant 288 : i32
      %add3A_79 = arith.addi %mul3A_77, %add3A_78 : i32
      "tpu.region"() ({
        %run_scoped3A = tpu.sem_alloc : memref<!tpu.dma_semaphore, #tpu.memory_space<semaphore_mem>>
        %dma_start3A_109 = arith.constant 0 : i32
        %dma_start3A_110 = tpu.memref_slice %arg12[%add3A_79, %dma_start3A_109] : memref<10240x128xf32, #tpu.memory_space<vmem_shared>> -> memref<48x128xf32, #tpu.memory_space<vmem_shared>>
        %dma_start3A_111 = arith.constant 0 : i32
        %dma_start3A_112 = tpu.memref_slice %arg12[%add3A_79, %dma_start3A_111] : memref<10240x128xf32, #tpu.memory_space<vmem_shared>> -> memref<48x128xf32, #tpu.memory_space<vmem_shared>>
        tpu.enqueue_dma source(%arg8 : memref<48x128xf32, #tpu.memory_space<vmem>>) target(%dma_start3A_112 : memref<48x128xf32, #tpu.memory_space<vmem_shared>>) target_semaphore(%run_scoped3A : memref<!tpu.dma_semaphore, #tpu.memory_space<semaphore_mem>>)
        %dma_wait3A = arith.constant 0 : i32
        %dma_wait3A_113 = tpu.memref_slice %arg12[%add3A_79, %dma_wait3A] : memref<10240x128xf32, #tpu.memory_space<vmem_shared>> -> memref<48x128xf32, #tpu.memory_space<vmem_shared>>
        %dma_wait3A_114 = arith.constant 0 : i32
        %dma_wait3A_115 = tpu.memref_slice %arg12[%add3A_79, %dma_wait3A_114] : memref<10240x128xf32, #tpu.memory_space<vmem_shared>> -> memref<48x128xf32, #tpu.memory_space<vmem_shared>>
        tpu.wait_dma2 semaphore(%run_scoped3A : memref<!tpu.dma_semaphore, #tpu.memory_space<semaphore_mem>>) src(%arg8 : memref<48x128xf32, #tpu.memory_space<vmem>>) dst(%dma_wait3A_115 : memref<48x128xf32, #tpu.memory_space<vmem_shared>>)
        tpu.yield
      }) : () -> ()
      %mul3A_80 = arith.constant 640 : i32
      %mul3A_81 = arith.muli %arg1, %mul3A_80 : i32
      %add3A_82 = arith.constant 336 : i32
      %add3A_83 = arith.addi %mul3A_81, %add3A_82 : i32
      "tpu.region"() ({
        %run_scoped3A = tpu.sem_alloc : memref<!tpu.dma_semaphore, #tpu.memory_space<semaphore_mem>>
        %dma_start3A_109 = arith.constant 0 : i32
        %dma_start3A_110 = tpu.memref_slice %arg12[%add3A_83, %dma_start3A_109] : memref<10240x128xf32, #tpu.memory_space<vmem_shared>> -> memref<48x128xf32, #tpu.memory_space<vmem_shared>>
        %dma_start3A_111 = arith.constant 0 : i32
        %dma_start3A_112 = tpu.memref_slice %arg12[%add3A_83, %dma_start3A_111] : memref<10240x128xf32, #tpu.memory_space<vmem_shared>> -> memref<48x128xf32, #tpu.memory_space<vmem_shared>>
        tpu.enqueue_dma source(%arg8 : memref<48x128xf32, #tpu.memory_space<vmem>>) target(%dma_start3A_112 : memref<48x128xf32, #tpu.memory_space<vmem_shared>>) target_semaphore(%run_scoped3A : memref<!tpu.dma_semaphore, #tpu.memory_space<semaphore_mem>>)
        %dma_wait3A = arith.constant 0 : i32
        %dma_wait3A_113 = tpu.memref_slice %arg12[%add3A_83, %dma_wait3A] : memref<10240x128xf32, #tpu.memory_space<vmem_shared>> -> memref<48x128xf32, #tpu.memory_space<vmem_shared>>
        %dma_wait3A_114 = arith.constant 0 : i32
        %dma_wait3A_115 = tpu.memref_slice %arg12[%add3A_83, %dma_wait3A_114] : memref<10240x128xf32, #tpu.memory_space<vmem_shared>> -> memref<48x128xf32, #tpu.memory_space<vmem_shared>>
        tpu.wait_dma2 semaphore(%run_scoped3A : memref<!tpu.dma_semaphore, #tpu.memory_space<semaphore_mem>>) src(%arg8 : memref<48x128xf32, #tpu.memory_space<vmem>>) dst(%dma_wait3A_115 : memref<48x128xf32, #tpu.memory_space<vmem_shared>>)
        tpu.yield
      }) : () -> ()
      %mul3A_84 = arith.constant 640 : i32
      %mul3A_85 = arith.muli %arg1, %mul3A_84 : i32
      %add3A_86 = arith.constant 384 : i32
      %add3A_87 = arith.addi %mul3A_85, %add3A_86 : i32
      "tpu.region"() ({
        %run_scoped3A = tpu.sem_alloc : memref<!tpu.dma_semaphore, #tpu.memory_space<semaphore_mem>>
        %dma_start3A_109 = arith.constant 0 : i32
        %dma_start3A_110 = tpu.memref_slice %arg12[%add3A_87, %dma_start3A_109] : memref<10240x128xf32, #tpu.memory_space<vmem_shared>> -> memref<48x128xf32, #tpu.memory_space<vmem_shared>>
        %dma_start3A_111 = arith.constant 0 : i32
        %dma_start3A_112 = tpu.memref_slice %arg12[%add3A_87, %dma_start3A_111] : memref<10240x128xf32, #tpu.memory_space<vmem_shared>> -> memref<48x128xf32, #tpu.memory_space<vmem_shared>>
        tpu.enqueue_dma source(%arg8 : memref<48x128xf32, #tpu.memory_space<vmem>>) target(%dma_start3A_112 : memref<48x128xf32, #tpu.memory_space<vmem_shared>>) target_semaphore(%run_scoped3A : memref<!tpu.dma_semaphore, #tpu.memory_space<semaphore_mem>>)
        %dma_wait3A = arith.constant 0 : i32
        %dma_wait3A_113 = tpu.memref_slice %arg12[%add3A_87, %dma_wait3A] : memref<10240x128xf32, #tpu.memory_space<vmem_shared>> -> memref<48x128xf32, #tpu.memory_space<vmem_shared>>
        %dma_wait3A_114 = arith.constant 0 : i32
        %dma_wait3A_115 = tpu.memref_slice %arg12[%add3A_87, %dma_wait3A_114] : memref<10240x128xf32, #tpu.memory_space<vmem_shared>> -> memref<48x128xf32, #tpu.memory_space<vmem_shared>>
        tpu.wait_dma2 semaphore(%run_scoped3A : memref<!tpu.dma_semaphore, #tpu.memory_space<semaphore_mem>>) src(%arg8 : memref<48x128xf32, #tpu.memory_space<vmem>>) dst(%dma_wait3A_115 : memref<48x128xf32, #tpu.memory_space<vmem_shared>>)
        tpu.yield
      }) : () -> ()
      %mul3A_88 = arith.constant 640 : i32
      %mul3A_89 = arith.muli %arg1, %mul3A_88 : i32
      %add3A_90 = arith.constant 432 : i32
      %add3A_91 = arith.addi %mul3A_89, %add3A_90 : i32
      "tpu.region"() ({
        %run_scoped3A = tpu.sem_alloc : memref<!tpu.dma_semaphore, #tpu.memory_space<semaphore_mem>>
        %dma_start3A_109 = arith.constant 0 : i32
        %dma_start3A_110 = tpu.memref_slice %arg12[%add3A_91, %dma_start3A_109] : memref<10240x128xf32, #tpu.memory_space<vmem_shared>> -> memref<48x128xf32, #tpu.memory_space<vmem_shared>>
        %dma_start3A_111 = arith.constant 0 : i32
        %dma_start3A_112 = tpu.memref_slice %arg12[%add3A_91, %dma_start3A_111] : memref<10240x128xf32, #tpu.memory_space<vmem_shared>> -> memref<48x128xf32, #tpu.memory_space<vmem_shared>>
        tpu.enqueue_dma source(%arg8 : memref<48x128xf32, #tpu.memory_space<vmem>>) target(%dma_start3A_112 : memref<48x128xf32, #tpu.memory_space<vmem_shared>>) target_semaphore(%run_scoped3A : memref<!tpu.dma_semaphore, #tpu.memory_space<semaphore_mem>>)
        %dma_wait3A = arith.constant 0 : i32
        %dma_wait3A_113 = tpu.memref_slice %arg12[%add3A_91, %dma_wait3A] : memref<10240x128xf32, #tpu.memory_space<vmem_shared>> -> memref<48x128xf32, #tpu.memory_space<vmem_shared>>
        %dma_wait3A_114 = arith.constant 0 : i32
        %dma_wait3A_115 = tpu.memref_slice %arg12[%add3A_91, %dma_wait3A_114] : memref<10240x128xf32, #tpu.memory_space<vmem_shared>> -> memref<48x128xf32, #tpu.memory_space<vmem_shared>>
        tpu.wait_dma2 semaphore(%run_scoped3A : memref<!tpu.dma_semaphore, #tpu.memory_space<semaphore_mem>>) src(%arg8 : memref<48x128xf32, #tpu.memory_space<vmem>>) dst(%dma_wait3A_115 : memref<48x128xf32, #tpu.memory_space<vmem_shared>>)
        tpu.yield
      }) : () -> ()
      %mul3A_92 = arith.constant 640 : i32
      %mul3A_93 = arith.muli %arg1, %mul3A_92 : i32
      %add3A_94 = arith.constant 480 : i32
      %add3A_95 = arith.addi %mul3A_93, %add3A_94 : i32
      "tpu.region"() ({
        %run_scoped3A = tpu.sem_alloc : memref<!tpu.dma_semaphore, #tpu.memory_space<semaphore_mem>>
        %dma_start3A_109 = arith.constant 0 : i32
        %dma_start3A_110 = tpu.memref_slice %arg12[%add3A_95, %dma_start3A_109] : memref<10240x128xf32, #tpu.memory_space<vmem_shared>> -> memref<48x128xf32, #tpu.memory_space<vmem_shared>>
        %dma_start3A_111 = arith.constant 0 : i32
        %dma_start3A_112 = tpu.memref_slice %arg12[%add3A_95, %dma_start3A_111] : memref<10240x128xf32, #tpu.memory_space<vmem_shared>> -> memref<48x128xf32, #tpu.memory_space<vmem_shared>>
        tpu.enqueue_dma source(%arg8 : memref<48x128xf32, #tpu.memory_space<vmem>>) target(%dma_start3A_112 : memref<48x128xf32, #tpu.memory_space<vmem_shared>>) target_semaphore(%run_scoped3A : memref<!tpu.dma_semaphore, #tpu.memory_space<semaphore_mem>>)
        %dma_wait3A = arith.constant 0 : i32
        %dma_wait3A_113 = tpu.memref_slice %arg12[%add3A_95, %dma_wait3A] : memref<10240x128xf32, #tpu.memory_space<vmem_shared>> -> memref<48x128xf32, #tpu.memory_space<vmem_shared>>
        %dma_wait3A_114 = arith.constant 0 : i32
        %dma_wait3A_115 = tpu.memref_slice %arg12[%add3A_95, %dma_wait3A_114] : memref<10240x128xf32, #tpu.memory_space<vmem_shared>> -> memref<48x128xf32, #tpu.memory_space<vmem_shared>>
        tpu.wait_dma2 semaphore(%run_scoped3A : memref<!tpu.dma_semaphore, #tpu.memory_space<semaphore_mem>>) src(%arg8 : memref<48x128xf32, #tpu.memory_space<vmem>>) dst(%dma_wait3A_115 : memref<48x128xf32, #tpu.memory_space<vmem_shared>>)
        tpu.yield
      }) : () -> ()
      %mul3A_96 = arith.constant 640 : i32
      %mul3A_97 = arith.muli %arg1, %mul3A_96 : i32
      %add3A_98 = arith.constant 528 : i32
      %add3A_99 = arith.addi %mul3A_97, %add3A_98 : i32
      "tpu.region"() ({
        %run_scoped3A = tpu.sem_alloc : memref<!tpu.dma_semaphore, #tpu.memory_space<semaphore_mem>>
        %dma_start3A_109 = arith.constant 0 : i32
        %dma_start3A_110 = tpu.memref_slice %arg12[%add3A_99, %dma_start3A_109] : memref<10240x128xf32, #tpu.memory_space<vmem_shared>> -> memref<48x128xf32, #tpu.memory_space<vmem_shared>>
        %dma_start3A_111 = arith.constant 0 : i32
        %dma_start3A_112 = tpu.memref_slice %arg12[%add3A_99, %dma_start3A_111] : memref<10240x128xf32, #tpu.memory_space<vmem_shared>> -> memref<48x128xf32, #tpu.memory_space<vmem_shared>>
        tpu.enqueue_dma source(%arg8 : memref<48x128xf32, #tpu.memory_space<vmem>>) target(%dma_start3A_112 : memref<48x128xf32, #tpu.memory_space<vmem_shared>>) target_semaphore(%run_scoped3A : memref<!tpu.dma_semaphore, #tpu.memory_space<semaphore_mem>>)
        %dma_wait3A = arith.constant 0 : i32
        %dma_wait3A_113 = tpu.memref_slice %arg12[%add3A_99, %dma_wait3A] : memref<10240x128xf32, #tpu.memory_space<vmem_shared>> -> memref<48x128xf32, #tpu.memory_space<vmem_shared>>
        %dma_wait3A_114 = arith.constant 0 : i32
        %dma_wait3A_115 = tpu.memref_slice %arg12[%add3A_99, %dma_wait3A_114] : memref<10240x128xf32, #tpu.memory_space<vmem_shared>> -> memref<48x128xf32, #tpu.memory_space<vmem_shared>>
        tpu.wait_dma2 semaphore(%run_scoped3A : memref<!tpu.dma_semaphore, #tpu.memory_space<semaphore_mem>>) src(%arg8 : memref<48x128xf32, #tpu.memory_space<vmem>>) dst(%dma_wait3A_115 : memref<48x128xf32, #tpu.memory_space<vmem_shared>>)
        tpu.yield
      }) : () -> ()
      %mul3A_100 = arith.constant 640 : i32
      %mul3A_101 = arith.muli %arg1, %mul3A_100 : i32
      %add3A_102 = arith.constant 576 : i32
      %add3A_103 = arith.addi %mul3A_101, %add3A_102 : i32
      "tpu.region"() ({
        %run_scoped3A = tpu.sem_alloc : memref<!tpu.dma_semaphore, #tpu.memory_space<semaphore_mem>>
        %dma_start3A_109 = arith.constant 0 : i32
        %dma_start3A_110 = tpu.memref_slice %arg12[%add3A_103, %dma_start3A_109] : memref<10240x128xf32, #tpu.memory_space<vmem_shared>> -> memref<48x128xf32, #tpu.memory_space<vmem_shared>>
        %dma_start3A_111 = arith.constant 0 : i32
        %dma_start3A_112 = tpu.memref_slice %arg12[%add3A_103, %dma_start3A_111] : memref<10240x128xf32, #tpu.memory_space<vmem_shared>> -> memref<48x128xf32, #tpu.memory_space<vmem_shared>>
        tpu.enqueue_dma source(%arg8 : memref<48x128xf32, #tpu.memory_space<vmem>>) target(%dma_start3A_112 : memref<48x128xf32, #tpu.memory_space<vmem_shared>>) target_semaphore(%run_scoped3A : memref<!tpu.dma_semaphore, #tpu.memory_space<semaphore_mem>>)
        %dma_wait3A = arith.constant 0 : i32
        %dma_wait3A_113 = tpu.memref_slice %arg12[%add3A_103, %dma_wait3A] : memref<10240x128xf32, #tpu.memory_space<vmem_shared>> -> memref<48x128xf32, #tpu.memory_space<vmem_shared>>
        %dma_wait3A_114 = arith.constant 0 : i32
        %dma_wait3A_115 = tpu.memref_slice %arg12[%add3A_103, %dma_wait3A_114] : memref<10240x128xf32, #tpu.memory_space<vmem_shared>> -> memref<48x128xf32, #tpu.memory_space<vmem_shared>>
        tpu.wait_dma2 semaphore(%run_scoped3A : memref<!tpu.dma_semaphore, #tpu.memory_space<semaphore_mem>>) src(%arg8 : memref<48x128xf32, #tpu.memory_space<vmem>>) dst(%dma_wait3A_115 : memref<48x128xf32, #tpu.memory_space<vmem_shared>>)
        tpu.yield
      }) : () -> ()
      %mul3A_104 = arith.constant 640 : i32
      %mul3A_105 = arith.muli %arg1, %mul3A_104 : i32
      %add3A_106 = arith.constant 640 : i32
      %add3A_107 = arith.addi %mul3A_105, %add3A_106 : i32
      %sub3A = arith.constant 16 : i32
      %sub3A_108 = arith.subi %add3A_107, %sub3A : i32
      "tpu.region"() ({
        %run_scoped3A = tpu.sem_alloc : memref<!tpu.dma_semaphore, #tpu.memory_space<semaphore_mem>>
        %dma_start3A_109 = arith.constant 0 : i32
        %dma_start3A_110 = arith.constant 0 : i32
        %dma_start3A_111 = tpu.memref_slice %arg8[%dma_start3A_109, %dma_start3A_110] : memref<48x128xf32, #tpu.memory_space<vmem>> -> memref<16x128xf32, #tpu.memory_space<vmem>>
        %dma_start3A_112 = arith.constant 0 : i32
        %dma_start3A_113 = tpu.memref_slice %arg12[%sub3A_108, %dma_start3A_112] : memref<10240x128xf32, #tpu.memory_space<vmem_shared>> -> memref<16x128xf32, #tpu.memory_space<vmem_shared>>
        %dma_start3A_114 = arith.constant 0 : i32
        %dma_start3A_115 = tpu.memref_slice %arg12[%sub3A_108, %dma_start3A_114] : memref<10240x128xf32, #tpu.memory_space<vmem_shared>> -> memref<16x128xf32, #tpu.memory_space<vmem_shared>>
        %dma_start3A_116 = arith.constant 0 : i32
        %dma_start3A_117 = arith.constant 0 : i32
        %dma_start3A_118 = tpu.memref_slice %arg8[%dma_start3A_116, %dma_start3A_117] : memref<48x128xf32, #tpu.memory_space<vmem>> -> memref<16x128xf32, #tpu.memory_space<vmem>>
        tpu.enqueue_dma source(%dma_start3A_118 : memref<16x128xf32, #tpu.memory_space<vmem>>) target(%dma_start3A_115 : memref<16x128xf32, #tpu.memory_space<vmem_shared>>) target_semaphore(%run_scoped3A : memref<!tpu.dma_semaphore, #tpu.memory_space<semaphore_mem>>)
        %dma_wait3A = arith.constant 0 : i32
        %dma_wait3A_119 = arith.constant 0 : i32
        %dma_wait3A_120 = tpu.memref_slice %arg8[%dma_wait3A, %dma_wait3A_119] : memref<48x128xf32, #tpu.memory_space<vmem>> -> memref<16x128xf32, #tpu.memory_space<vmem>>
        %dma_wait3A_121 = arith.constant 0 : i32
        %dma_wait3A_122 = tpu.memref_slice %arg12[%sub3A_108, %dma_wait3A_121] : memref<10240x128xf32, #tpu.memory_space<vmem_shared>> -> memref<16x128xf32, #tpu.memory_space<vmem_shared>>
        %dma_wait3A_123 = arith.constant 0 : i32
        %dma_wait3A_124 = tpu.memref_slice %arg12[%sub3A_108, %dma_wait3A_123] : memref<10240x128xf32, #tpu.memory_space<vmem_shared>> -> memref<16x128xf32, #tpu.memory_space<vmem_shared>>
        %dma_wait3A_125 = arith.constant 0 : i32
        %dma_wait3A_126 = arith.constant 0 : i32
        %dma_wait3A_127 = tpu.memref_slice %arg8[%dma_wait3A_125, %dma_wait3A_126] : memref<48x128xf32, #tpu.memory_space<vmem>> -> memref<16x128xf32, #tpu.memory_space<vmem>>
        tpu.wait_dma2 semaphore(%run_scoped3A : memref<!tpu.dma_semaphore, #tpu.memory_space<semaphore_mem>>) src(%dma_wait3A_127 : memref<16x128xf32, #tpu.memory_space<vmem>>) dst(%dma_wait3A_124 : memref<16x128xf32, #tpu.memory_space<vmem_shared>>)
        tpu.yield
      }) : () -> ()
    } else {
    }
    "tpu.region"() ({
      %run_scoped3A = tpu.sem_alloc : memref<!tpu.dma_semaphore, #tpu.memory_space<semaphore_mem>>
      %dma_start3A_45 = arith.constant 0 : i32
      %dma_start3A_46 = arith.constant 0 : i32
      %dma_start3A_47 = tpu.memref_slice %arg2[%add3A, %dma_start3A_45, %dma_start3A_46] : memref<32x212x48xi32, #tpu.memory_space<hbm>> -> memref<1x212x48xi32, #tpu.memory_space<hbm>>
      %dma_start3A_48 = tpu.memref_squeeze %dma_start3A_47 : memref<1x212x48xi32, #tpu.memory_space<hbm>> -> memref<212x48xi32, #tpu.memory_space<hbm>>
      %dma_start3A_49 = arith.constant 0 : i32
      %dma_start3A_50 = arith.constant 0 : i32
      %dma_start3A_51 = tpu.memref_slice %arg2[%add3A, %dma_start3A_49, %dma_start3A_50] : memref<32x212x48xi32, #tpu.memory_space<hbm>> -> memref<1x212x48xi32, #tpu.memory_space<hbm>>
      %dma_start3A_52 = tpu.memref_squeeze %dma_start3A_51 : memref<1x212x48xi32, #tpu.memory_space<hbm>> -> memref<212x48xi32, #tpu.memory_space<hbm>>
      tpu.enqueue_dma source(%dma_start3A_52 : memref<212x48xi32, #tpu.memory_space<hbm>>) target(%arg6 : memref<212x48xi32, #tpu.memory_space<vmem>>) target_semaphore(%run_scoped3A : memref<!tpu.dma_semaphore, #tpu.memory_space<semaphore_mem>>)
      %dma_wait3A = arith.constant 0 : i32
      %dma_wait3A_53 = arith.constant 0 : i32
      %dma_wait3A_54 = tpu.memref_slice %arg2[%add3A, %dma_wait3A, %dma_wait3A_53] : memref<32x212x48xi32, #tpu.memory_space<hbm>> -> memref<1x212x48xi32, #tpu.memory_space<hbm>>
      %dma_wait3A_55 = tpu.memref_squeeze %dma_wait3A_54 : memref<1x212x48xi32, #tpu.memory_space<hbm>> -> memref<212x48xi32, #tpu.memory_space<hbm>>
      %dma_wait3A_56 = arith.constant 0 : i32
      %dma_wait3A_57 = arith.constant 0 : i32
      %dma_wait3A_58 = tpu.memref_slice %arg2[%add3A, %dma_wait3A_56, %dma_wait3A_57] : memref<32x212x48xi32, #tpu.memory_space<hbm>> -> memref<1x212x48xi32, #tpu.memory_space<hbm>>
      %dma_wait3A_59 = tpu.memref_squeeze %dma_wait3A_58 : memref<1x212x48xi32, #tpu.memory_space<hbm>> -> memref<212x48xi32, #tpu.memory_space<hbm>>
      tpu.wait_dma2 semaphore(%run_scoped3A : memref<!tpu.dma_semaphore, #tpu.memory_space<semaphore_mem>>) src(%dma_wait3A_59 : memref<212x48xi32, #tpu.memory_space<hbm>>) dst(%arg6 : memref<212x48xi32, #tpu.memory_space<vmem>>)
      tpu.yield
    }) : () -> ()
    "tpu.region"() ({
      %run_scoped3A = tpu.sem_alloc : memref<!tpu.dma_semaphore, #tpu.memory_space<semaphore_mem>>
      %dma_start3A_45 = arith.constant 0 : i32
      %dma_start3A_46 = arith.constant 0 : i32
      %dma_start3A_47 = tpu.memref_slice %arg3[%add3A, %dma_start3A_45, %dma_start3A_46] : memref<32x212x48xi32, #tpu.memory_space<hbm>> -> memref<1x212x48xi32, #tpu.memory_space<hbm>>
      %dma_start3A_48 = tpu.memref_squeeze %dma_start3A_47 : memref<1x212x48xi32, #tpu.memory_space<hbm>> -> memref<212x48xi32, #tpu.memory_space<hbm>>
      %dma_start3A_49 = arith.constant 0 : i32
      %dma_start3A_50 = arith.constant 0 : i32
      %dma_start3A_51 = tpu.memref_slice %arg3[%add3A, %dma_start3A_49, %dma_start3A_50] : memref<32x212x48xi32, #tpu.memory_space<hbm>> -> memref<1x212x48xi32, #tpu.memory_space<hbm>>
      %dma_start3A_52 = tpu.memref_squeeze %dma_start3A_51 : memref<1x212x48xi32, #tpu.memory_space<hbm>> -> memref<212x48xi32, #tpu.memory_space<hbm>>
      tpu.enqueue_dma source(%dma_start3A_52 : memref<212x48xi32, #tpu.memory_space<hbm>>) target(%arg7 : memref<212x48xi32, #tpu.memory_space<vmem>>) target_semaphore(%run_scoped3A : memref<!tpu.dma_semaphore, #tpu.memory_space<semaphore_mem>>)
      %dma_wait3A = arith.constant 0 : i32
      %dma_wait3A_53 = arith.constant 0 : i32
      %dma_wait3A_54 = tpu.memref_slice %arg3[%add3A, %dma_wait3A, %dma_wait3A_53] : memref<32x212x48xi32, #tpu.memory_space<hbm>> -> memref<1x212x48xi32, #tpu.memory_space<hbm>>
      %dma_wait3A_55 = tpu.memref_squeeze %dma_wait3A_54 : memref<1x212x48xi32, #tpu.memory_space<hbm>> -> memref<212x48xi32, #tpu.memory_space<hbm>>
      %dma_wait3A_56 = arith.constant 0 : i32
      %dma_wait3A_57 = arith.constant 0 : i32
      %dma_wait3A_58 = tpu.memref_slice %arg3[%add3A, %dma_wait3A_56, %dma_wait3A_57] : memref<32x212x48xi32, #tpu.memory_space<hbm>> -> memref<1x212x48xi32, #tpu.memory_space<hbm>>
      %dma_wait3A_59 = tpu.memref_squeeze %dma_wait3A_58 : memref<1x212x48xi32, #tpu.memory_space<hbm>> -> memref<212x48xi32, #tpu.memory_space<hbm>>
      tpu.wait_dma2 semaphore(%run_scoped3A : memref<!tpu.dma_semaphore, #tpu.memory_space<semaphore_mem>>) src(%dma_wait3A_59 : memref<212x48xi32, #tpu.memory_space<hbm>>) dst(%arg7 : memref<212x48xi32, #tpu.memory_space<vmem>>)
      tpu.yield
    }) : () -> ()
    %barrier3A = arith.constant 0 : index
    tpu.barrier barrier_id(%barrier3A)
    %dma_start3A = arith.constant 0 : i32
    %dma_start3A_8 = arith.constant 0 : i32
    %dma_start3A_9 = tpu.memref_slice %arg6[%dma_start3A, %dma_start3A_8] : memref<212x48xi32, #tpu.memory_space<vmem>> -> memref<1x48xi32, #tpu.memory_space<vmem>>
    %dma_start3A_10 = tpu.memref_squeeze %dma_start3A_9 : memref<1x48xi32, #tpu.memory_space<vmem>> -> memref<48xi32, #tpu.memory_space<vmem>>
    %dma_start3A_11 = arith.constant 0 : i32
    %dma_start3A_12 = arith.constant 0 : i32
    %dma_start3A_13 = tpu.memref_slice %arg4[%dma_start3A_11, %dma_start3A_12] : memref<10240x128xf32, #tpu.memory_space<hbm>> -> memref<10240x128xf32, #tpu.memory_space<hbm>>
    tpu.enqueue_indirect_dma source(%dma_start3A_13 : memref<10240x128xf32, #tpu.memory_space<hbm>>) target(%arg8 : memref<48x128xf32, #tpu.memory_space<vmem>>) offsets(%dma_start3A_10 : memref<48xi32, #tpu.memory_space<vmem>>) semaphore(%arg13 : memref<!tpu.dma_semaphore, #tpu.memory_space<semaphore_mem>>)
    %dma_start3A_14 = arith.constant 1 : i32
    %dma_start3A_15 = arith.constant 0 : i32
    %dma_start3A_16 = tpu.memref_slice %arg6[%dma_start3A_14, %dma_start3A_15] : memref<212x48xi32, #tpu.memory_space<vmem>> -> memref<1x48xi32, #tpu.memory_space<vmem>>
    %dma_start3A_17 = tpu.memref_squeeze %dma_start3A_16 : memref<1x48xi32, #tpu.memory_space<vmem>> -> memref<48xi32, #tpu.memory_space<vmem>>
    %dma_start3A_18 = arith.constant 0 : i32
    %dma_start3A_19 = arith.constant 0 : i32
    %dma_start3A_20 = tpu.memref_slice %arg4[%dma_start3A_18, %dma_start3A_19] : memref<10240x128xf32, #tpu.memory_space<hbm>> -> memref<10240x128xf32, #tpu.memory_space<hbm>>
    tpu.enqueue_indirect_dma source(%dma_start3A_20 : memref<10240x128xf32, #tpu.memory_space<hbm>>) target(%arg9 : memref<48x128xf32, #tpu.memory_space<vmem>>) offsets(%dma_start3A_17 : memref<48xi32, #tpu.memory_space<vmem>>) semaphore(%arg14 : memref<!tpu.dma_semaphore, #tpu.memory_space<semaphore_mem>>)
    %dma_start3A_21 = arith.constant 2 : i32
    %dma_start3A_22 = arith.constant 0 : i32
    %dma_start3A_23 = tpu.memref_slice %arg6[%dma_start3A_21, %dma_start3A_22] : memref<212x48xi32, #tpu.memory_space<vmem>> -> memref<1x48xi32, #tpu.memory_space<vmem>>
    %dma_start3A_24 = tpu.memref_squeeze %dma_start3A_23 : memref<1x48xi32, #tpu.memory_space<vmem>> -> memref<48xi32, #tpu.memory_space<vmem>>
    %dma_start3A_25 = arith.constant 0 : i32
    %dma_start3A_26 = arith.constant 0 : i32
    %dma_start3A_27 = tpu.memref_slice %arg4[%dma_start3A_25, %dma_start3A_26] : memref<10240x128xf32, #tpu.memory_space<hbm>> -> memref<10240x128xf32, #tpu.memory_space<hbm>>
    tpu.enqueue_indirect_dma source(%dma_start3A_27 : memref<10240x128xf32, #tpu.memory_space<hbm>>) target(%arg10 : memref<48x128xf32, #tpu.memory_space<vmem>>) offsets(%dma_start3A_24 : memref<48xi32, #tpu.memory_space<vmem>>) semaphore(%arg15 : memref<!tpu.dma_semaphore, #tpu.memory_space<semaphore_mem>>)
    %dma_start3A_28 = arith.constant 3 : i32
    %dma_start3A_29 = arith.constant 0 : i32
    %dma_start3A_30 = tpu.memref_slice %arg6[%dma_start3A_28, %dma_start3A_29] : memref<212x48xi32, #tpu.memory_space<vmem>> -> memref<1x48xi32, #tpu.memory_space<vmem>>
    %dma_start3A_31 = tpu.memref_squeeze %dma_start3A_30 : memref<1x48xi32, #tpu.memory_space<vmem>> -> memref<48xi32, #tpu.memory_space<vmem>>
    %dma_start3A_32 = arith.constant 0 : i32
    %dma_start3A_33 = arith.constant 0 : i32
    %dma_start3A_34 = tpu.memref_slice %arg4[%dma_start3A_32, %dma_start3A_33] : memref<10240x128xf32, #tpu.memory_space<hbm>> -> memref<10240x128xf32, #tpu.memory_space<hbm>>
    tpu.enqueue_indirect_dma source(%dma_start3A_34 : memref<10240x128xf32, #tpu.memory_space<hbm>>) target(%arg11 : memref<48x128xf32, #tpu.memory_space<vmem>>) offsets(%dma_start3A_31 : memref<48xi32, #tpu.memory_space<vmem>>) semaphore(%arg16 : memref<!tpu.dma_semaphore, #tpu.memory_space<semaphore_mem>>)
    %scan3A = arith.constant 0 : i32
    %scan3A_35 = arith.constant 0 : i32
    %scan3A_36 = arith.constant 53 : i32
    %scan3A_37 = arith.addi %scan3A_35, %scan3A_36 : i32
    %scan3A_38 = arith.constant 1 : i32
    scf.for %scan3A_45 = %scan3A_35 to %scan3A_37 step %scan3A_38  : i32 {
      %mul3A_46 = arith.constant 4 : i32
      %mul3A_47 = arith.muli %mul3A_46, %scan3A_45 : i32
      %add3A_48 = arith.constant 0 : i32
      %add3A_49 = arith.addi %mul3A_47, %add3A_48 : i32
      %dma_wait3A = arith.constant 0 : i32
      %dma_wait3A_50 = tpu.memref_slice %arg6[%add3A_49, %dma_wait3A] : memref<212x48xi32, #tpu.memory_space<vmem>> -> memref<1x48xi32, #tpu.memory_space<vmem>>
      %dma_wait3A_51 = tpu.memref_squeeze %dma_wait3A_50 : memref<1x48xi32, #tpu.memory_space<vmem>> -> memref<48xi32, #tpu.memory_space<vmem>>
      %dma_wait3A_52 = arith.constant 0 : i32
      %dma_wait3A_53 = arith.constant 0 : i32
      %dma_wait3A_54 = tpu.memref_slice %arg4[%dma_wait3A_52, %dma_wait3A_53] : memref<10240x128xf32, #tpu.memory_space<hbm>> -> memref<10240x128xf32, #tpu.memory_space<hbm>>
      tpu.wait_indirect_dma semaphore(%arg13 : memref<!tpu.dma_semaphore, #tpu.memory_space<semaphore_mem>>) src(%dma_wait3A_54 : memref<10240x128xf32, #tpu.memory_space<hbm>>) dst(%arg8 : memref<48x128xf32, #tpu.memory_space<vmem>>)
      %add3A_55 = arith.constant 0 : i32
      %add3A_56 = arith.addi %mul3A_47, %add3A_55 : i32
      %add3A_57 = arith.constant 4 : i32
      %add3A_58 = arith.addi %add3A_56, %add3A_57 : i32
      %lt3A = arith.constant 212 : i32
      %lt3A_59 = arith.cmpi slt, %add3A_58, %lt3A : i32
      %convert_element_type3A_60 = arith.extui %lt3A_59 : i1 to i32
      %cond3A_61 = arith.constant 0 : i32
      %cond3A_62 = arith.cmpi ne, %convert_element_type3A_60, %cond3A_61 : i32
      scf.if %cond3A_62 {
        %add3A_122 = arith.constant 0 : i32
        %add3A_123 = arith.addi %mul3A_47, %add3A_122 : i32
        %add3A_124 = arith.constant 4 : i32
        %add3A_125 = arith.addi %add3A_123, %add3A_124 : i32
        %dma_start3A_126 = arith.constant 0 : i32
        %dma_start3A_127 = tpu.memref_slice %arg6[%add3A_125, %dma_start3A_126] : memref<212x48xi32, #tpu.memory_space<vmem>> -> memref<1x48xi32, #tpu.memory_space<vmem>>
        %dma_start3A_128 = tpu.memref_squeeze %dma_start3A_127 : memref<1x48xi32, #tpu.memory_space<vmem>> -> memref<48xi32, #tpu.memory_space<vmem>>
        %dma_start3A_129 = arith.constant 0 : i32
        %dma_start3A_130 = arith.constant 0 : i32
        %dma_start3A_131 = tpu.memref_slice %arg4[%dma_start3A_129, %dma_start3A_130] : memref<10240x128xf32, #tpu.memory_space<hbm>> -> memref<10240x128xf32, #tpu.memory_space<hbm>>
        tpu.enqueue_indirect_dma source(%dma_start3A_131 : memref<10240x128xf32, #tpu.memory_space<hbm>>) target(%arg8 : memref<48x128xf32, #tpu.memory_space<vmem>>) offsets(%dma_start3A_128 : memref<48xi32, #tpu.memory_space<vmem>>) semaphore(%arg13 : memref<!tpu.dma_semaphore, #tpu.memory_space<semaphore_mem>>)
      } else {
      }
      %add3A_63 = arith.constant 0 : i32
      %add3A_64 = arith.addi %mul3A_47, %add3A_63 : i32
      "tpu.region"() ({
        %run_scoped3A = tpu.sem_alloc : memref<!tpu.dma_semaphore, #tpu.memory_space<semaphore_mem>>
        %dma_start3A_122 = arith.constant 0 : i32
        %dma_start3A_123 = tpu.memref_slice %arg7[%add3A_64, %dma_start3A_122] : memref<212x48xi32, #tpu.memory_space<vmem>> -> memref<1x48xi32, #tpu.memory_space<vmem>>
        %dma_start3A_124 = tpu.memref_squeeze %dma_start3A_123 : memref<1x48xi32, #tpu.memory_space<vmem>> -> memref<48xi32, #tpu.memory_space<vmem>>
        %dma_start3A_125 = arith.constant 0 : i32
        %dma_start3A_126 = arith.constant 0 : i32
        %dma_start3A_127 = tpu.memref_slice %arg12[%dma_start3A_125, %dma_start3A_126] : memref<10240x128xf32, #tpu.memory_space<vmem_shared>> -> memref<10240x128xf32, #tpu.memory_space<vmem_shared>>
        tpu.enqueue_indirect_dma source(%arg8 : memref<48x128xf32, #tpu.memory_space<vmem>>) target(%dma_start3A_127 : memref<10240x128xf32, #tpu.memory_space<vmem_shared>>) offsets(%dma_start3A_124 : memref<48xi32, #tpu.memory_space<vmem>>) semaphore(%run_scoped3A : memref<!tpu.dma_semaphore, #tpu.memory_space<semaphore_mem>>) {add = true}
        %dma_wait3A_128 = arith.constant 0 : i32
        %dma_wait3A_129 = tpu.memref_slice %arg7[%add3A_64, %dma_wait3A_128] : memref<212x48xi32, #tpu.memory_space<vmem>> -> memref<1x48xi32, #tpu.memory_space<vmem>>
        %dma_wait3A_130 = tpu.memref_squeeze %dma_wait3A_129 : memref<1x48xi32, #tpu.memory_space<vmem>> -> memref<48xi32, #tpu.memory_space<vmem>>
        %dma_wait3A_131 = arith.constant 0 : i32
        %dma_wait3A_132 = arith.constant 0 : i32
        %dma_wait3A_133 = tpu.memref_slice %arg12[%dma_wait3A_131, %dma_wait3A_132] : memref<10240x128xf32, #tpu.memory_space<vmem_shared>> -> memref<10240x128xf32, #tpu.memory_space<vmem_shared>>
        tpu.wait_indirect_dma semaphore(%run_scoped3A : memref<!tpu.dma_semaphore, #tpu.memory_space<semaphore_mem>>) src(%arg8 : memref<48x128xf32, #tpu.memory_space<vmem>>) dst(%dma_wait3A_133 : memref<10240x128xf32, #tpu.memory_space<vmem_shared>>)
        tpu.yield
      }) : () -> ()
      %add3A_65 = arith.constant 1 : i32
      %add3A_66 = arith.addi %mul3A_47, %add3A_65 : i32
      %dma_wait3A_67 = arith.constant 0 : i32
      %dma_wait3A_68 = tpu.memref_slice %arg6[%add3A_66, %dma_wait3A_67] : memref<212x48xi32, #tpu.memory_space<vmem>> -> memref<1x48xi32, #tpu.memory_space<vmem>>
      %dma_wait3A_69 = tpu.memref_squeeze %dma_wait3A_68 : memref<1x48xi32, #tpu.memory_space<vmem>> -> memref<48xi32, #tpu.memory_space<vmem>>
      %dma_wait3A_70 = arith.constant 0 : i32
      %dma_wait3A_71 = arith.constant 0 : i32
      %dma_wait3A_72 = tpu.memref_slice %arg4[%dma_wait3A_70, %dma_wait3A_71] : memref<10240x128xf32, #tpu.memory_space<hbm>> -> memref<10240x128xf32, #tpu.memory_space<hbm>>
      tpu.wait_indirect_dma semaphore(%arg14 : memref<!tpu.dma_semaphore, #tpu.memory_space<semaphore_mem>>) src(%dma_wait3A_72 : memref<10240x128xf32, #tpu.memory_space<hbm>>) dst(%arg9 : memref<48x128xf32, #tpu.memory_space<vmem>>)
      %add3A_73 = arith.constant 1 : i32
      %add3A_74 = arith.addi %mul3A_47, %add3A_73 : i32
      %add3A_75 = arith.constant 4 : i32
      %add3A_76 = arith.addi %add3A_74, %add3A_75 : i32
      %lt3A_77 = arith.constant 212 : i32
      %lt3A_78 = arith.cmpi slt, %add3A_76, %lt3A_77 : i32
      %convert_element_type3A_79 = arith.extui %lt3A_78 : i1 to i32
      %cond3A_80 = arith.constant 0 : i32
      %cond3A_81 = arith.cmpi ne, %convert_element_type3A_79, %cond3A_80 : i32
      scf.if %cond3A_81 {
        %add3A_122 = arith.constant 1 : i32
        %add3A_123 = arith.addi %mul3A_47, %add3A_122 : i32
        %add3A_124 = arith.constant 4 : i32
        %add3A_125 = arith.addi %add3A_123, %add3A_124 : i32
        %dma_start3A_126 = arith.constant 0 : i32
        %dma_start3A_127 = tpu.memref_slice %arg6[%add3A_125, %dma_start3A_126] : memref<212x48xi32, #tpu.memory_space<vmem>> -> memref<1x48xi32, #tpu.memory_space<vmem>>
        %dma_start3A_128 = tpu.memref_squeeze %dma_start3A_127 : memref<1x48xi32, #tpu.memory_space<vmem>> -> memref<48xi32, #tpu.memory_space<vmem>>
        %dma_start3A_129 = arith.constant 0 : i32
        %dma_start3A_130 = arith.constant 0 : i32
        %dma_start3A_131 = tpu.memref_slice %arg4[%dma_start3A_129, %dma_start3A_130] : memref<10240x128xf32, #tpu.memory_space<hbm>> -> memref<10240x128xf32, #tpu.memory_space<hbm>>
        tpu.enqueue_indirect_dma source(%dma_start3A_131 : memref<10240x128xf32, #tpu.memory_space<hbm>>) target(%arg9 : memref<48x128xf32, #tpu.memory_space<vmem>>) offsets(%dma_start3A_128 : memref<48xi32, #tpu.memory_space<vmem>>) semaphore(%arg14 : memref<!tpu.dma_semaphore, #tpu.memory_space<semaphore_mem>>)
      } else {
      }
      %add3A_82 = arith.constant 1 : i32
      %add3A_83 = arith.addi %mul3A_47, %add3A_82 : i32
      "tpu.region"() ({
        %run_scoped3A = tpu.sem_alloc : memref<!tpu.dma_semaphore, #tpu.memory_space<semaphore_mem>>
        %dma_start3A_122 = arith.constant 0 : i32
        %dma_start3A_123 = tpu.memref_slice %arg7[%add3A_83, %dma_start3A_122] : memref<212x48xi32, #tpu.memory_space<vmem>> -> memref<1x48xi32, #tpu.memory_space<vmem>>
        %dma_start3A_124 = tpu.memref_squeeze %dma_start3A_123 : memref<1x48xi32, #tpu.memory_space<vmem>> -> memref<48xi32, #tpu.memory_space<vmem>>
        %dma_start3A_125 = arith.constant 0 : i32
        %dma_start3A_126 = arith.constant 0 : i32
        %dma_start3A_127 = tpu.memref_slice %arg12[%dma_start3A_125, %dma_start3A_126] : memref<10240x128xf32, #tpu.memory_space<vmem_shared>> -> memref<10240x128xf32, #tpu.memory_space<vmem_shared>>
        tpu.enqueue_indirect_dma source(%arg9 : memref<48x128xf32, #tpu.memory_space<vmem>>) target(%dma_start3A_127 : memref<10240x128xf32, #tpu.memory_space<vmem_shared>>) offsets(%dma_start3A_124 : memref<48xi32, #tpu.memory_space<vmem>>) semaphore(%run_scoped3A : memref<!tpu.dma_semaphore, #tpu.memory_space<semaphore_mem>>) {add = true}
        %dma_wait3A_128 = arith.constant 0 : i32
        %dma_wait3A_129 = tpu.memref_slice %arg7[%add3A_83, %dma_wait3A_128] : memref<212x48xi32, #tpu.memory_space<vmem>> -> memref<1x48xi32, #tpu.memory_space<vmem>>
        %dma_wait3A_130 = tpu.memref_squeeze %dma_wait3A_129 : memref<1x48xi32, #tpu.memory_space<vmem>> -> memref<48xi32, #tpu.memory_space<vmem>>
        %dma_wait3A_131 = arith.constant 0 : i32
        %dma_wait3A_132 = arith.constant 0 : i32
        %dma_wait3A_133 = tpu.memref_slice %arg12[%dma_wait3A_131, %dma_wait3A_132] : memref<10240x128xf32, #tpu.memory_space<vmem_shared>> -> memref<10240x128xf32, #tpu.memory_space<vmem_shared>>
        tpu.wait_indirect_dma semaphore(%run_scoped3A : memref<!tpu.dma_semaphore, #tpu.memory_space<semaphore_mem>>) src(%arg9 : memref<48x128xf32, #tpu.memory_space<vmem>>) dst(%dma_wait3A_133 : memref<10240x128xf32, #tpu.memory_space<vmem_shared>>)
        tpu.yield
      }) : () -> ()
      %add3A_84 = arith.constant 2 : i32
      %add3A_85 = arith.addi %mul3A_47, %add3A_84 : i32
      %dma_wait3A_86 = arith.constant 0 : i32
      %dma_wait3A_87 = tpu.memref_slice %arg6[%add3A_85, %dma_wait3A_86] : memref<212x48xi32, #tpu.memory_space<vmem>> -> memref<1x48xi32, #tpu.memory_space<vmem>>
      %dma_wait3A_88 = tpu.memref_squeeze %dma_wait3A_87 : memref<1x48xi32, #tpu.memory_space<vmem>> -> memref<48xi32, #tpu.memory_space<vmem>>
      %dma_wait3A_89 = arith.constant 0 : i32
      %dma_wait3A_90 = arith.constant 0 : i32
      %dma_wait3A_91 = tpu.memref_slice %arg4[%dma_wait3A_89, %dma_wait3A_90] : memref<10240x128xf32, #tpu.memory_space<hbm>> -> memref<10240x128xf32, #tpu.memory_space<hbm>>
      tpu.wait_indirect_dma semaphore(%arg15 : memref<!tpu.dma_semaphore, #tpu.memory_space<semaphore_mem>>) src(%dma_wait3A_91 : memref<10240x128xf32, #tpu.memory_space<hbm>>) dst(%arg10 : memref<48x128xf32, #tpu.memory_space<vmem>>)
      %add3A_92 = arith.constant 2 : i32
      %add3A_93 = arith.addi %mul3A_47, %add3A_92 : i32
      %add3A_94 = arith.constant 4 : i32
      %add3A_95 = arith.addi %add3A_93, %add3A_94 : i32
      %lt3A_96 = arith.constant 212 : i32
      %lt3A_97 = arith.cmpi slt, %add3A_95, %lt3A_96 : i32
      %convert_element_type3A_98 = arith.extui %lt3A_97 : i1 to i32
      %cond3A_99 = arith.constant 0 : i32
      %cond3A_100 = arith.cmpi ne, %convert_element_type3A_98, %cond3A_99 : i32
      scf.if %cond3A_100 {
        %add3A_122 = arith.constant 2 : i32
        %add3A_123 = arith.addi %mul3A_47, %add3A_122 : i32
        %add3A_124 = arith.constant 4 : i32
        %add3A_125 = arith.addi %add3A_123, %add3A_124 : i32
        %dma_start3A_126 = arith.constant 0 : i32
        %dma_start3A_127 = tpu.memref_slice %arg6[%add3A_125, %dma_start3A_126] : memref<212x48xi32, #tpu.memory_space<vmem>> -> memref<1x48xi32, #tpu.memory_space<vmem>>
        %dma_start3A_128 = tpu.memref_squeeze %dma_start3A_127 : memref<1x48xi32, #tpu.memory_space<vmem>> -> memref<48xi32, #tpu.memory_space<vmem>>
        %dma_start3A_129 = arith.constant 0 : i32
        %dma_start3A_130 = arith.constant 0 : i32
        %dma_start3A_131 = tpu.memref_slice %arg4[%dma_start3A_129, %dma_start3A_130] : memref<10240x128xf32, #tpu.memory_space<hbm>> -> memref<10240x128xf32, #tpu.memory_space<hbm>>
        tpu.enqueue_indirect_dma source(%dma_start3A_131 : memref<10240x128xf32, #tpu.memory_space<hbm>>) target(%arg10 : memref<48x128xf32, #tpu.memory_space<vmem>>) offsets(%dma_start3A_128 : memref<48xi32, #tpu.memory_space<vmem>>) semaphore(%arg15 : memref<!tpu.dma_semaphore, #tpu.memory_space<semaphore_mem>>)
      } else {
      }
      %add3A_101 = arith.constant 2 : i32
      %add3A_102 = arith.addi %mul3A_47, %add3A_101 : i32
      "tpu.region"() ({
        %run_scoped3A = tpu.sem_alloc : memref<!tpu.dma_semaphore, #tpu.memory_space<semaphore_mem>>
        %dma_start3A_122 = arith.constant 0 : i32
        %dma_start3A_123 = tpu.memref_slice %arg7[%add3A_102, %dma_start3A_122] : memref<212x48xi32, #tpu.memory_space<vmem>> -> memref<1x48xi32, #tpu.memory_space<vmem>>
        %dma_start3A_124 = tpu.memref_squeeze %dma_start3A_123 : memref<1x48xi32, #tpu.memory_space<vmem>> -> memref<48xi32, #tpu.memory_space<vmem>>
        %dma_start3A_125 = arith.constant 0 : i32
        %dma_start3A_126 = arith.constant 0 : i32
        %dma_start3A_127 = tpu.memref_slice %arg12[%dma_start3A_125, %dma_start3A_126] : memref<10240x128xf32, #tpu.memory_space<vmem_shared>> -> memref<10240x128xf32, #tpu.memory_space<vmem_shared>>
        tpu.enqueue_indirect_dma source(%arg10 : memref<48x128xf32, #tpu.memory_space<vmem>>) target(%dma_start3A_127 : memref<10240x128xf32, #tpu.memory_space<vmem_shared>>) offsets(%dma_start3A_124 : memref<48xi32, #tpu.memory_space<vmem>>) semaphore(%run_scoped3A : memref<!tpu.dma_semaphore, #tpu.memory_space<semaphore_mem>>) {add = true}
        %dma_wait3A_128 = arith.constant 0 : i32
        %dma_wait3A_129 = tpu.memref_slice %arg7[%add3A_102, %dma_wait3A_128] : memref<212x48xi32, #tpu.memory_space<vmem>> -> memref<1x48xi32, #tpu.memory_space<vmem>>
        %dma_wait3A_130 = tpu.memref_squeeze %dma_wait3A_129 : memref<1x48xi32, #tpu.memory_space<vmem>> -> memref<48xi32, #tpu.memory_space<vmem>>
        %dma_wait3A_131 = arith.constant 0 : i32
        %dma_wait3A_132 = arith.constant 0 : i32
        %dma_wait3A_133 = tpu.memref_slice %arg12[%dma_wait3A_131, %dma_wait3A_132] : memref<10240x128xf32, #tpu.memory_space<vmem_shared>> -> memref<10240x128xf32, #tpu.memory_space<vmem_shared>>
        tpu.wait_indirect_dma semaphore(%run_scoped3A : memref<!tpu.dma_semaphore, #tpu.memory_space<semaphore_mem>>) src(%arg10 : memref<48x128xf32, #tpu.memory_space<vmem>>) dst(%dma_wait3A_133 : memref<10240x128xf32, #tpu.memory_space<vmem_shared>>)
        tpu.yield
      }) : () -> ()
      %add3A_103 = arith.constant 3 : i32
      %add3A_104 = arith.addi %mul3A_47, %add3A_103 : i32
      %dma_wait3A_105 = arith.constant 0 : i32
      %dma_wait3A_106 = tpu.memref_slice %arg6[%add3A_104, %dma_wait3A_105] : memref<212x48xi32, #tpu.memory_space<vmem>> -> memref<1x48xi32, #tpu.memory_space<vmem>>
      %dma_wait3A_107 = tpu.memref_squeeze %dma_wait3A_106 : memref<1x48xi32, #tpu.memory_space<vmem>> -> memref<48xi32, #tpu.memory_space<vmem>>
      %dma_wait3A_108 = arith.constant 0 : i32
      %dma_wait3A_109 = arith.constant 0 : i32
      %dma_wait3A_110 = tpu.memref_slice %arg4[%dma_wait3A_108, %dma_wait3A_109] : memref<10240x128xf32, #tpu.memory_space<hbm>> -> memref<10240x128xf32, #tpu.memory_space<hbm>>
      tpu.wait_indirect_dma semaphore(%arg16 : memref<!tpu.dma_semaphore, #tpu.memory_space<semaphore_mem>>) src(%dma_wait3A_110 : memref<10240x128xf32, #tpu.memory_space<hbm>>) dst(%arg11 : memref<48x128xf32, #tpu.memory_space<vmem>>)
      %add3A_111 = arith.constant 3 : i32
      %add3A_112 = arith.addi %mul3A_47, %add3A_111 : i32
      %add3A_113 = arith.constant 4 : i32
      %add3A_114 = arith.addi %add3A_112, %add3A_113 : i32
      %lt3A_115 = arith.constant 212 : i32
      %lt3A_116 = arith.cmpi slt, %add3A_114, %lt3A_115 : i32
      %convert_element_type3A_117 = arith.extui %lt3A_116 : i1 to i32
      %cond3A_118 = arith.constant 0 : i32
      %cond3A_119 = arith.cmpi ne, %convert_element_type3A_117, %cond3A_118 : i32
      scf.if %cond3A_119 {
        %add3A_122 = arith.constant 3 : i32
        %add3A_123 = arith.addi %mul3A_47, %add3A_122 : i32
        %add3A_124 = arith.constant 4 : i32
        %add3A_125 = arith.addi %add3A_123, %add3A_124 : i32
        %dma_start3A_126 = arith.constant 0 : i32
        %dma_start3A_127 = tpu.memref_slice %arg6[%add3A_125, %dma_start3A_126] : memref<212x48xi32, #tpu.memory_space<vmem>> -> memref<1x48xi32, #tpu.memory_space<vmem>>
        %dma_start3A_128 = tpu.memref_squeeze %dma_start3A_127 : memref<1x48xi32, #tpu.memory_space<vmem>> -> memref<48xi32, #tpu.memory_space<vmem>>
        %dma_start3A_129 = arith.constant 0 : i32
        %dma_start3A_130 = arith.constant 0 : i32
        %dma_start3A_131 = tpu.memref_slice %arg4[%dma_start3A_129, %dma_start3A_130] : memref<10240x128xf32, #tpu.memory_space<hbm>> -> memref<10240x128xf32, #tpu.memory_space<hbm>>
        tpu.enqueue_indirect_dma source(%dma_start3A_131 : memref<10240x128xf32, #tpu.memory_space<hbm>>) target(%arg11 : memref<48x128xf32, #tpu.memory_space<vmem>>) offsets(%dma_start3A_128 : memref<48xi32, #tpu.memory_space<vmem>>) semaphore(%arg16 : memref<!tpu.dma_semaphore, #tpu.memory_space<semaphore_mem>>)
      } else {
      }
      %add3A_120 = arith.constant 3 : i32
      %add3A_121 = arith.addi %mul3A_47, %add3A_120 : i32
      "tpu.region"() ({
        %run_scoped3A = tpu.sem_alloc : memref<!tpu.dma_semaphore, #tpu.memory_space<semaphore_mem>>
        %dma_start3A_122 = arith.constant 0 : i32
        %dma_start3A_123 = tpu.memref_slice %arg7[%add3A_121, %dma_start3A_122] : memref<212x48xi32, #tpu.memory_space<vmem>> -> memref<1x48xi32, #tpu.memory_space<vmem>>
        %dma_start3A_124 = tpu.memref_squeeze %dma_start3A_123 : memref<1x48xi32, #tpu.memory_space<vmem>> -> memref<48xi32, #tpu.memory_space<vmem>>
        %dma_start3A_125 = arith.constant 0 : i32
        %dma_start3A_126 = arith.constant 0 : i32
        %dma_start3A_127 = tpu.memref_slice %arg12[%dma_start3A_125, %dma_start3A_126] : memref<10240x128xf32, #tpu.memory_space<vmem_shared>> -> memref<10240x128xf32, #tpu.memory_space<vmem_shared>>
        tpu.enqueue_indirect_dma source(%arg11 : memref<48x128xf32, #tpu.memory_space<vmem>>) target(%dma_start3A_127 : memref<10240x128xf32, #tpu.memory_space<vmem_shared>>) offsets(%dma_start3A_124 : memref<48xi32, #tpu.memory_space<vmem>>) semaphore(%run_scoped3A : memref<!tpu.dma_semaphore, #tpu.memory_space<semaphore_mem>>) {add = true}
        %dma_wait3A_128 = arith.constant 0 : i32
        %dma_wait3A_129 = tpu.memref_slice %arg7[%add3A_121, %dma_wait3A_128] : memref<212x48xi32, #tpu.memory_space<vmem>> -> memref<1x48xi32, #tpu.memory_space<vmem>>
        %dma_wait3A_130 = tpu.memref_squeeze %dma_wait3A_129 : memref<1x48xi32, #tpu.memory_space<vmem>> -> memref<48xi32, #tpu.memory_space<vmem>>
        %dma_wait3A_131 = arith.constant 0 : i32
        %dma_wait3A_132 = arith.constant 0 : i32
        %dma_wait3A_133 = tpu.memref_slice %arg12[%dma_wait3A_131, %dma_wait3A_132] : memref<10240x128xf32, #tpu.memory_space<vmem_shared>> -> memref<10240x128xf32, #tpu.memory_space<vmem_shared>>
        tpu.wait_indirect_dma semaphore(%run_scoped3A : memref<!tpu.dma_semaphore, #tpu.memory_space<semaphore_mem>>) src(%arg11 : memref<48x128xf32, #tpu.memory_space<vmem>>) dst(%dma_wait3A_133 : memref<10240x128xf32, #tpu.memory_space<vmem_shared>>)
        tpu.yield
      }) : () -> ()
    }
    %scan3A_39 = arith.constant 53 : i32
    %barrier3A_40 = arith.constant 0 : index
    tpu.barrier barrier_id(%barrier3A_40)
    %mul3A_41 = arith.constant 640 : i32
    %mul3A_42 = arith.muli %arg1, %mul3A_41 : i32
    %mul3A_43 = arith.constant 640 : i32
    %mul3A_44 = arith.muli %arg1, %mul3A_43 : i32
    "tpu.region"() ({
      %run_scoped3A = tpu.sem_alloc : memref<!tpu.dma_semaphore, #tpu.memory_space<semaphore_mem>>
      %dma_start3A_45 = arith.constant 0 : i32
      %dma_start3A_46 = tpu.memref_slice %arg5[%arg0, %mul3A_44, %dma_start3A_45] : memref<2x10240x128xf32, #tpu.memory_space<hbm>> -> memref<1x640x128xf32, #tpu.memory_space<hbm>>
      %dma_start3A_47 = tpu.memref_squeeze %dma_start3A_46 : memref<1x640x128xf32, #tpu.memory_space<hbm>> -> memref<640x128xf32, #tpu.memory_space<hbm>>
      %dma_start3A_48 = arith.constant 0 : i32
      %dma_start3A_49 = tpu.memref_slice %arg12[%mul3A_42, %dma_start3A_48] : memref<10240x128xf32, #tpu.memory_space<vmem_shared>> -> memref<640x128xf32, #tpu.memory_space<vmem_shared>>
      tpu.enqueue_dma source(%dma_start3A_49 : memref<640x128xf32, #tpu.memory_space<vmem_shared>>) target(%dma_start3A_47 : memref<640x128xf32, #tpu.memory_space<hbm>>) target_semaphore(%run_scoped3A : memref<!tpu.dma_semaphore, #tpu.memory_space<semaphore_mem>>)
      %dma_wait3A = arith.constant 0 : i32
      %dma_wait3A_50 = tpu.memref_slice %arg5[%arg0, %mul3A_44, %dma_wait3A] : memref<2x10240x128xf32, #tpu.memory_space<hbm>> -> memref<1x640x128xf32, #tpu.memory_space<hbm>>
      %dma_wait3A_51 = tpu.memref_squeeze %dma_wait3A_50 : memref<1x640x128xf32, #tpu.memory_space<hbm>> -> memref<640x128xf32, #tpu.memory_space<hbm>>
      %dma_wait3A_52 = arith.constant 0 : i32
      %dma_wait3A_53 = tpu.memref_slice %arg12[%mul3A_42, %dma_wait3A_52] : memref<10240x128xf32, #tpu.memory_space<vmem_shared>> -> memref<640x128xf32, #tpu.memory_space<vmem_shared>>
      tpu.wait_dma2 semaphore(%run_scoped3A : memref<!tpu.dma_semaphore, #tpu.memory_space<semaphore_mem>>) src(%dma_wait3A_53 : memref<640x128xf32, #tpu.memory_space<vmem_shared>>) dst(%dma_wait3A_51 : memref<640x128xf32, #tpu.memory_space<hbm>>)
      tpu.yield
    }) : () -> ()
    return
  }
}

#map = affine_map<(d0, d1) -> (0, 0, 0)>
#map1 = affine_map<(d0, d1) -> (0, 0)>
module attributes {stable_mosaic.version = 14 : i64} {
  func.func @_degree_hist(%arg0: i32, %arg1: i32, %arg2: memref<32x79x128xi32, #tpu.memory_space<hbm>>, %arg3: memref<128x16xf32, #tpu.memory_space<hbm>>, %arg4: memref<2x10240x16xf32, #tpu.memory_space<hbm>>, %arg5: memref<79x128xi32, #tpu.memory_space<vmem>>, %arg6: memref<128x16xf32, #tpu.memory_space<vmem>>, %arg7: memref<128x16xf32, #tpu.memory_space<vmem>>, %arg8: memref<10240x16xf32, #tpu.memory_space<vmem_shared>>, %arg9: memref<!tpu.dma_semaphore, #tpu.memory_space<semaphore_mem>>) attributes {dimension_semantics = [#tpu.dimension_semantics<core_parallel>, #tpu.dimension_semantics<subcore_parallel>], iteration_bounds = array<i64: 2, 16>, scalar_prefetch = 0 : i64, scratch_operands = 5 : i64, tpu.core_type = #tpu.core_type<sc_vector_subcore>, window_params = [{transform_indices = #map}, {transform_indices = #map1}, {transform_indices = #map}]} {
    %mul3A = arith.constant 2 : i32
    %mul3A_0 = arith.muli %arg1, %mul3A : i32
    %add3A = arith.addi %mul3A_0, %arg0 : i32
    %broadcast_in_dim3A = arith.constant 0.000000e+00 : f32
    %broadcast_in_dim3A_1 = vector.broadcast %broadcast_in_dim3A : f32 to vector<16xf32>
    %scan3A = arith.constant 0 : i32
    %scan3A_2 = arith.constant 0 : i32
    %scan3A_3 = arith.constant 128 : i32
    %scan3A_4 = arith.addi %scan3A_2, %scan3A_3 : i32
    %scan3A_5 = arith.constant 1 : i32
    scf.for %scan3A_148 = %scan3A_2 to %scan3A_4 step %scan3A_5  : i32 {
      %swap3A = arith.index_cast %scan3A_148 : i32 to index
      %swap3A_149 = arith.constant 0 : index
      %swap3A_150 = tpu.vector_load %arg7[%swap3A, %swap3A_149] {strides = array<i32>} : memref<128x16xf32, #tpu.memory_space<vmem>>, vector<1x16xf32>,
      %swap3A_151 = vector.shape_cast %swap3A_150 : vector<1x16xf32> to vector<16xf32>
      %swap3A_152 = vector.shape_cast %broadcast_in_dim3A_1 : vector<16xf32> to vector<1x16xf32>
      tpu.vector_store %arg7[%swap3A, %swap3A_149], %swap3A_152 {strides = array<i32>} : memref<128x16xf32, #tpu.memory_space<vmem>>, vector<1x16xf32>,
    }
    %scan3A_6 = arith.constant 128 : i32
    %mul3A_7 = arith.constant 640 : i32
    %mul3A_8 = arith.muli %arg1, %mul3A_7 : i32
    %add3A_9 = arith.constant 0 : i32
    %add3A_10 = arith.addi %mul3A_8, %add3A_9 : i32
    "tpu.region"() ({
      %run_scoped3A = tpu.sem_alloc : memref<!tpu.dma_semaphore, #tpu.memory_space<semaphore_mem>>
      %dma_start3A_148 = arith.constant 0 : i32
      %dma_start3A_149 = tpu.memref_slice %arg8[%add3A_10, %dma_start3A_148] : memref<10240x16xf32, #tpu.memory_space<vmem_shared>> -> memref<128x16xf32, #tpu.memory_space<vmem_shared>>
      %dma_start3A_150 = arith.constant 0 : i32
      %dma_start3A_151 = tpu.memref_slice %arg8[%add3A_10, %dma_start3A_150] : memref<10240x16xf32, #tpu.memory_space<vmem_shared>> -> memref<128x16xf32, #tpu.memory_space<vmem_shared>>
      tpu.enqueue_dma source(%arg7 : memref<128x16xf32, #tpu.memory_space<vmem>>) target(%dma_start3A_151 : memref<128x16xf32, #tpu.memory_space<vmem_shared>>) target_semaphore(%run_scoped3A : memref<!tpu.dma_semaphore, #tpu.memory_space<semaphore_mem>>)
      %dma_wait3A_152 = arith.constant 0 : i32
      %dma_wait3A_153 = tpu.memref_slice %arg8[%add3A_10, %dma_wait3A_152] : memref<10240x16xf32, #tpu.memory_space<vmem_shared>> -> memref<128x16xf32, #tpu.memory_space<vmem_shared>>
      %dma_wait3A_154 = arith.constant 0 : i32
      %dma_wait3A_155 = tpu.memref_slice %arg8[%add3A_10, %dma_wait3A_154] : memref<10240x16xf32, #tpu.memory_space<vmem_shared>> -> memref<128x16xf32, #tpu.memory_space<vmem_shared>>
      tpu.wait_dma2 semaphore(%run_scoped3A : memref<!tpu.dma_semaphore, #tpu.memory_space<semaphore_mem>>) src(%arg7 : memref<128x16xf32, #tpu.memory_space<vmem>>) dst(%dma_wait3A_155 : memref<128x16xf32, #tpu.memory_space<vmem_shared>>)
      tpu.yield
    }) : () -> ()
    %mul3A_11 = arith.constant 640 : i32
    %mul3A_12 = arith.muli %arg1, %mul3A_11 : i32
    %add3A_13 = arith.constant 128 : i32
    %add3A_14 = arith.addi %mul3A_12, %add3A_13 : i32
    "tpu.region"() ({
      %run_scoped3A = tpu.sem_alloc : memref<!tpu.dma_semaphore, #tpu.memory_space<semaphore_mem>>
      %dma_start3A_148 = arith.constant 0 : i32
      %dma_start3A_149 = tpu.memref_slice %arg8[%add3A_14, %dma_start3A_148] : memref<10240x16xf32, #tpu.memory_space<vmem_shared>> -> memref<128x16xf32, #tpu.memory_space<vmem_shared>>
      %dma_start3A_150 = arith.constant 0 : i32
      %dma_start3A_151 = tpu.memref_slice %arg8[%add3A_14, %dma_start3A_150] : memref<10240x16xf32, #tpu.memory_space<vmem_shared>> -> memref<128x16xf32, #tpu.memory_space<vmem_shared>>
      tpu.enqueue_dma source(%arg7 : memref<128x16xf32, #tpu.memory_space<vmem>>) target(%dma_start3A_151 : memref<128x16xf32, #tpu.memory_space<vmem_shared>>) target_semaphore(%run_scoped3A : memref<!tpu.dma_semaphore, #tpu.memory_space<semaphore_mem>>)
      %dma_wait3A_152 = arith.constant 0 : i32
      %dma_wait3A_153 = tpu.memref_slice %arg8[%add3A_14, %dma_wait3A_152] : memref<10240x16xf32, #tpu.memory_space<vmem_shared>> -> memref<128x16xf32, #tpu.memory_space<vmem_shared>>
      %dma_wait3A_154 = arith.constant 0 : i32
      %dma_wait3A_155 = tpu.memref_slice %arg8[%add3A_14, %dma_wait3A_154] : memref<10240x16xf32, #tpu.memory_space<vmem_shared>> -> memref<128x16xf32, #tpu.memory_space<vmem_shared>>
      tpu.wait_dma2 semaphore(%run_scoped3A : memref<!tpu.dma_semaphore, #tpu.memory_space<semaphore_mem>>) src(%arg7 : memref<128x16xf32, #tpu.memory_space<vmem>>) dst(%dma_wait3A_155 : memref<128x16xf32, #tpu.memory_space<vmem_shared>>)
      tpu.yield
    }) : () -> ()
    %mul3A_15 = arith.constant 640 : i32
    %mul3A_16 = arith.muli %arg1, %mul3A_15 : i32
    %add3A_17 = arith.constant 256 : i32
    %add3A_18 = arith.addi %mul3A_16, %add3A_17 : i32
    "tpu.region"() ({
      %run_scoped3A = tpu.sem_alloc : memref<!tpu.dma_semaphore, #tpu.memory_space<semaphore_mem>>
      %dma_start3A_148 = arith.constant 0 : i32
      %dma_start3A_149 = tpu.memref_slice %arg8[%add3A_18, %dma_start3A_148] : memref<10240x16xf32, #tpu.memory_space<vmem_shared>> -> memref<128x16xf32, #tpu.memory_space<vmem_shared>>
      %dma_start3A_150 = arith.constant 0 : i32
      %dma_start3A_151 = tpu.memref_slice %arg8[%add3A_18, %dma_start3A_150] : memref<10240x16xf32, #tpu.memory_space<vmem_shared>> -> memref<128x16xf32, #tpu.memory_space<vmem_shared>>
      tpu.enqueue_dma source(%arg7 : memref<128x16xf32, #tpu.memory_space<vmem>>) target(%dma_start3A_151 : memref<128x16xf32, #tpu.memory_space<vmem_shared>>) target_semaphore(%run_scoped3A : memref<!tpu.dma_semaphore, #tpu.memory_space<semaphore_mem>>)
      %dma_wait3A_152 = arith.constant 0 : i32
      %dma_wait3A_153 = tpu.memref_slice %arg8[%add3A_18, %dma_wait3A_152] : memref<10240x16xf32, #tpu.memory_space<vmem_shared>> -> memref<128x16xf32, #tpu.memory_space<vmem_shared>>
      %dma_wait3A_154 = arith.constant 0 : i32
      %dma_wait3A_155 = tpu.memref_slice %arg8[%add3A_18, %dma_wait3A_154] : memref<10240x16xf32, #tpu.memory_space<vmem_shared>> -> memref<128x16xf32, #tpu.memory_space<vmem_shared>>
      tpu.wait_dma2 semaphore(%run_scoped3A : memref<!tpu.dma_semaphore, #tpu.memory_space<semaphore_mem>>) src(%arg7 : memref<128x16xf32, #tpu.memory_space<vmem>>) dst(%dma_wait3A_155 : memref<128x16xf32, #tpu.memory_space<vmem_shared>>)
      tpu.yield
    }) : () -> ()
    %mul3A_19 = arith.constant 640 : i32
    %mul3A_20 = arith.muli %arg1, %mul3A_19 : i32
    %add3A_21 = arith.constant 384 : i32
    %add3A_22 = arith.addi %mul3A_20, %add3A_21 : i32
    "tpu.region"() ({
      %run_scoped3A = tpu.sem_alloc : memref<!tpu.dma_semaphore, #tpu.memory_space<semaphore_mem>>
      %dma_start3A_148 = arith.constant 0 : i32
      %dma_start3A_149 = tpu.memref_slice %arg8[%add3A_22, %dma_start3A_148] : memref<10240x16xf32, #tpu.memory_space<vmem_shared>> -> memref<128x16xf32, #tpu.memory_space<vmem_shared>>
      %dma_start3A_150 = arith.constant 0 : i32
      %dma_start3A_151 = tpu.memref_slice %arg8[%add3A_22, %dma_start3A_150] : memref<10240x16xf32, #tpu.memory_space<vmem_shared>> -> memref<128x16xf32, #tpu.memory_space<vmem_shared>>
      tpu.enqueue_dma source(%arg7 : memref<128x16xf32, #tpu.memory_space<vmem>>) target(%dma_start3A_151 : memref<128x16xf32, #tpu.memory_space<vmem_shared>>) target_semaphore(%run_scoped3A : memref<!tpu.dma_semaphore, #tpu.memory_space<semaphore_mem>>)
      %dma_wait3A_152 = arith.constant 0 : i32
      %dma_wait3A_153 = tpu.memref_slice %arg8[%add3A_22, %dma_wait3A_152] : memref<10240x16xf32, #tpu.memory_space<vmem_shared>> -> memref<128x16xf32, #tpu.memory_space<vmem_shared>>
      %dma_wait3A_154 = arith.constant 0 : i32
      %dma_wait3A_155 = tpu.memref_slice %arg8[%add3A_22, %dma_wait3A_154] : memref<10240x16xf32, #tpu.memory_space<vmem_shared>> -> memref<128x16xf32, #tpu.memory_space<vmem_shared>>
      tpu.wait_dma2 semaphore(%run_scoped3A : memref<!tpu.dma_semaphore, #tpu.memory_space<semaphore_mem>>) src(%arg7 : memref<128x16xf32, #tpu.memory_space<vmem>>) dst(%dma_wait3A_155 : memref<128x16xf32, #tpu.memory_space<vmem_shared>>)
      tpu.yield
    }) : () -> ()
    %mul3A_23 = arith.constant 640 : i32
    %mul3A_24 = arith.muli %arg1, %mul3A_23 : i32
    %add3A_25 = arith.constant 512 : i32
    %add3A_26 = arith.addi %mul3A_24, %add3A_25 : i32
    "tpu.region"() ({
      %run_scoped3A = tpu.sem_alloc : memref<!tpu.dma_semaphore, #tpu.memory_space<semaphore_mem>>
      %dma_start3A_148 = arith.constant 0 : i32
      %dma_start3A_149 = tpu.memref_slice %arg8[%add3A_26, %dma_start3A_148] : memref<10240x16xf32, #tpu.memory_space<vmem_shared>> -> memref<128x16xf32, #tpu.memory_space<vmem_shared>>
      %dma_start3A_150 = arith.constant 0 : i32
      %dma_start3A_151 = tpu.memref_slice %arg8[%add3A_26, %dma_start3A_150] : memref<10240x16xf32, #tpu.memory_space<vmem_shared>> -> memref<128x16xf32, #tpu.memory_space<vmem_shared>>
      tpu.enqueue_dma source(%arg7 : memref<128x16xf32, #tpu.memory_space<vmem>>) target(%dma_start3A_151 : memref<128x16xf32, #tpu.memory_space<vmem_shared>>) target_semaphore(%run_scoped3A : memref<!tpu.dma_semaphore, #tpu.memory_space<semaphore_mem>>)
      %dma_wait3A_152 = arith.constant 0 : i32
      %dma_wait3A_153 = tpu.memref_slice %arg8[%add3A_26, %dma_wait3A_152] : memref<10240x16xf32, #tpu.memory_space<vmem_shared>> -> memref<128x16xf32, #tpu.memory_space<vmem_shared>>
      %dma_wait3A_154 = arith.constant 0 : i32
      %dma_wait3A_155 = tpu.memref_slice %arg8[%add3A_26, %dma_wait3A_154] : memref<10240x16xf32, #tpu.memory_space<vmem_shared>> -> memref<128x16xf32, #tpu.memory_space<vmem_shared>>
      tpu.wait_dma2 semaphore(%run_scoped3A : memref<!tpu.dma_semaphore, #tpu.memory_space<semaphore_mem>>) src(%arg7 : memref<128x16xf32, #tpu.memory_space<vmem>>) dst(%dma_wait3A_155 : memref<128x16xf32, #tpu.memory_space<vmem_shared>>)
      tpu.yield
    }) : () -> ()
    "tpu.region"() ({
      %run_scoped3A = tpu.sem_alloc : memref<!tpu.dma_semaphore, #tpu.memory_space<semaphore_mem>>
      tpu.enqueue_dma source(%arg3 : memref<128x16xf32, #tpu.memory_space<hbm>>) target(%arg6 : memref<128x16xf32, #tpu.memory_space<vmem>>) target_semaphore(%run_scoped3A : memref<!tpu.dma_semaphore, #tpu.memory_space<semaphore_mem>>)
      tpu.wait_dma2 semaphore(%run_scoped3A : memref<!tpu.dma_semaphore, #tpu.memory_space<semaphore_mem>>) src(%arg3 : memref<128x16xf32, #tpu.memory_space<hbm>>) dst(%arg6 : memref<128x16xf32, #tpu.memory_space<vmem>>)
      tpu.yield
    }) : () -> ()
    "tpu.region"() ({
      %run_scoped3A = tpu.sem_alloc : memref<!tpu.dma_semaphore, #tpu.memory_space<semaphore_mem>>
      %dma_start3A_148 = arith.constant 0 : i32
      %dma_start3A_149 = arith.constant 0 : i32
      %dma_start3A_150 = tpu.memref_slice %arg2[%add3A, %dma_start3A_148, %dma_start3A_149] : memref<32x79x128xi32, #tpu.memory_space<hbm>> -> memref<1x79x128xi32, #tpu.memory_space<hbm>>
      %dma_start3A_151 = tpu.memref_squeeze %dma_start3A_150 : memref<1x79x128xi32, #tpu.memory_space<hbm>> -> memref<79x128xi32, #tpu.memory_space<hbm>>
      %dma_start3A_152 = arith.constant 0 : i32
      %dma_start3A_153 = arith.constant 0 : i32
      %dma_start3A_154 = tpu.memref_slice %arg2[%add3A, %dma_start3A_152, %dma_start3A_153] : memref<32x79x128xi32, #tpu.memory_space<hbm>> -> memref<1x79x128xi32, #tpu.memory_space<hbm>>
      %dma_start3A_155 = tpu.memref_squeeze %dma_start3A_154 : memref<1x79x128xi32, #tpu.memory_space<hbm>> -> memref<79x128xi32, #tpu.memory_space<hbm>>
      tpu.enqueue_dma source(%dma_start3A_155 : memref<79x128xi32, #tpu.memory_space<hbm>>) target(%arg5 : memref<79x128xi32, #tpu.memory_space<vmem>>) target_semaphore(%run_scoped3A : memref<!tpu.dma_semaphore, #tpu.memory_space<semaphore_mem>>)
      %dma_wait3A_156 = arith.constant 0 : i32
      %dma_wait3A_157 = arith.constant 0 : i32
      %dma_wait3A_158 = tpu.memref_slice %arg2[%add3A, %dma_wait3A_156, %dma_wait3A_157] : memref<32x79x128xi32, #tpu.memory_space<hbm>> -> memref<1x79x128xi32, #tpu.memory_space<hbm>>
      %dma_wait3A_159 = tpu.memref_squeeze %dma_wait3A_158 : memref<1x79x128xi32, #tpu.memory_space<hbm>> -> memref<79x128xi32, #tpu.memory_space<hbm>>
      %dma_wait3A_160 = arith.constant 0 : i32
      %dma_wait3A_161 = arith.constant 0 : i32
      %dma_wait3A_162 = tpu.memref_slice %arg2[%add3A, %dma_wait3A_160, %dma_wait3A_161] : memref<32x79x128xi32, #tpu.memory_space<hbm>> -> memref<1x79x128xi32, #tpu.memory_space<hbm>>
      %dma_wait3A_163 = tpu.memref_squeeze %dma_wait3A_162 : memref<1x79x128xi32, #tpu.memory_space<hbm>> -> memref<79x128xi32, #tpu.memory_space<hbm>>
      tpu.wait_dma2 semaphore(%run_scoped3A : memref<!tpu.dma_semaphore, #tpu.memory_space<semaphore_mem>>) src(%dma_wait3A_163 : memref<79x128xi32, #tpu.memory_space<hbm>>) dst(%arg5 : memref<79x128xi32, #tpu.memory_space<vmem>>)
      tpu.yield
    }) : () -> ()
    %barrier3A = arith.constant 0 : index
    tpu.barrier barrier_id(%barrier3A)
    %dma_start3A = arith.constant 0 : i32
    %dma_start3A_27 = arith.constant 0 : i32
    %dma_start3A_28 = tpu.memref_slice %arg5[%dma_start3A, %dma_start3A_27] : memref<79x128xi32, #tpu.memory_space<vmem>> -> memref<1x128xi32, #tpu.memory_space<vmem>>
    %dma_start3A_29 = tpu.memref_squeeze %dma_start3A_28 : memref<1x128xi32, #tpu.memory_space<vmem>> -> memref<128xi32, #tpu.memory_space<vmem>>
    %dma_start3A_30 = arith.constant 0 : i32
    %dma_start3A_31 = arith.constant 0 : i32
    %dma_start3A_32 = tpu.memref_slice %arg8[%dma_start3A_30, %dma_start3A_31] : memref<10240x16xf32, #tpu.memory_space<vmem_shared>> -> memref<10240x16xf32, #tpu.memory_space<vmem_shared>>
    tpu.enqueue_indirect_dma source(%arg6 : memref<128x16xf32, #tpu.memory_space<vmem>>) target(%dma_start3A_32 : memref<10240x16xf32, #tpu.memory_space<vmem_shared>>) offsets(%dma_start3A_29 : memref<128xi32, #tpu.memory_space<vmem>>) semaphore(%arg9 : memref<!tpu.dma_semaphore, #tpu.memory_space<semaphore_mem>>) {add = true}
    %dma_start3A_33 = arith.constant 1 : i32
    %dma_start3A_34 = arith.constant 0 : i32
    %dma_start3A_35 = tpu.memref_slice %arg5[%dma_start3A_33, %dma_start3A_34] : memref<79x128xi32, #tpu.memory_space<vmem>> -> memref<1x128xi32, #tpu.memory_space<vmem>>
    %dma_start3A_36 = tpu.memref_squeeze %dma_start3A_35 : memref<1x128xi32, #tpu.memory_space<vmem>> -> memref<128xi32, #tpu.memory_space<vmem>>
    %dma_start3A_37 = arith.constant 0 : i32
    %dma_start3A_38 = arith.constant 0 : i32
    %dma_start3A_39 = tpu.memref_slice %arg8[%dma_start3A_37, %dma_start3A_38] : memref<10240x16xf32, #tpu.memory_space<vmem_shared>> -> memref<10240x16xf32, #tpu.memory_space<vmem_shared>>
    tpu.enqueue_indirect_dma source(%arg6 : memref<128x16xf32, #tpu.memory_space<vmem>>) target(%dma_start3A_39 : memref<10240x16xf32, #tpu.memory_space<vmem_shared>>) offsets(%dma_start3A_36 : memref<128xi32, #tpu.memory_space<vmem>>) semaphore(%arg9 : memref<!tpu.dma_semaphore, #tpu.memory_space<semaphore_mem>>) {add = true}
    %dma_start3A_40 = arith.constant 2 : i32
    %dma_start3A_41 = arith.constant 0 : i32
    %dma_start3A_42 = tpu.memref_slice %arg5[%dma_start3A_40, %dma_start3A_41] : memref<79x128xi32, #tpu.memory_space<vmem>> -> memref<1x128xi32, #tpu.memory_space<vmem>>
    %dma_start3A_43 = tpu.memref_squeeze %dma_start3A_42 : memref<1x128xi32, #tpu.memory_space<vmem>> -> memref<128xi32, #tpu.memory_space<vmem>>
    %dma_start3A_44 = arith.constant 0 : i32
    %dma_start3A_45 = arith.constant 0 : i32
    %dma_start3A_46 = tpu.memref_slice %arg8[%dma_start3A_44, %dma_start3A_45] : memref<10240x16xf32, #tpu.memory_space<vmem_shared>> -> memref<10240x16xf32, #tpu.memory_space<vmem_shared>>
    tpu.enqueue_indirect_dma source(%arg6 : memref<128x16xf32, #tpu.memory_space<vmem>>) target(%dma_start3A_46 : memref<10240x16xf32, #tpu.memory_space<vmem_shared>>) offsets(%dma_start3A_43 : memref<128xi32, #tpu.memory_space<vmem>>) semaphore(%arg9 : memref<!tpu.dma_semaphore, #tpu.memory_space<semaphore_mem>>) {add = true}
    %dma_start3A_47 = arith.constant 3 : i32
    %dma_start3A_48 = arith.constant 0 : i32
    %dma_start3A_49 = tpu.memref_slice %arg5[%dma_start3A_47, %dma_start3A_48] : memref<79x128xi32, #tpu.memory_space<vmem>> -> memref<1x128xi32, #tpu.memory_space<vmem>>
    %dma_start3A_50 = tpu.memref_squeeze %dma_start3A_49 : memref<1x128xi32, #tpu.memory_space<vmem>> -> memref<128xi32, #tpu.memory_space<vmem>>
    %dma_start3A_51 = arith.constant 0 : i32
    %dma_start3A_52 = arith.constant 0 : i32
    %dma_start3A_53 = tpu.memref_slice %arg8[%dma_start3A_51, %dma_start3A_52] : memref<10240x16xf32, #tpu.memory_space<vmem_shared>> -> memref<10240x16xf32, #tpu.memory_space<vmem_shared>>
    tpu.enqueue_indirect_dma source(%arg6 : memref<128x16xf32, #tpu.memory_space<vmem>>) target(%dma_start3A_53 : memref<10240x16xf32, #tpu.memory_space<vmem_shared>>) offsets(%dma_start3A_50 : memref<128xi32, #tpu.memory_space<vmem>>) semaphore(%arg9 : memref<!tpu.dma_semaphore, #tpu.memory_space<semaphore_mem>>) {add = true}
    %dma_start3A_54 = arith.constant 4 : i32
    %dma_start3A_55 = arith.constant 0 : i32
    %dma_start3A_56 = tpu.memref_slice %arg5[%dma_start3A_54, %dma_start3A_55] : memref<79x128xi32, #tpu.memory_space<vmem>> -> memref<1x128xi32, #tpu.memory_space<vmem>>
    %dma_start3A_57 = tpu.memref_squeeze %dma_start3A_56 : memref<1x128xi32, #tpu.memory_space<vmem>> -> memref<128xi32, #tpu.memory_space<vmem>>
    %dma_start3A_58 = arith.constant 0 : i32
    %dma_start3A_59 = arith.constant 0 : i32
    %dma_start3A_60 = tpu.memref_slice %arg8[%dma_start3A_58, %dma_start3A_59] : memref<10240x16xf32, #tpu.memory_space<vmem_shared>> -> memref<10240x16xf32, #tpu.memory_space<vmem_shared>>
    tpu.enqueue_indirect_dma source(%arg6 : memref<128x16xf32, #tpu.memory_space<vmem>>) target(%dma_start3A_60 : memref<10240x16xf32, #tpu.memory_space<vmem_shared>>) offsets(%dma_start3A_57 : memref<128xi32, #tpu.memory_space<vmem>>) semaphore(%arg9 : memref<!tpu.dma_semaphore, #tpu.memory_space<semaphore_mem>>) {add = true}
    %dma_start3A_61 = arith.constant 5 : i32
    %dma_start3A_62 = arith.constant 0 : i32
    %dma_start3A_63 = tpu.memref_slice %arg5[%dma_start3A_61, %dma_start3A_62] : memref<79x128xi32, #tpu.memory_space<vmem>> -> memref<1x128xi32, #tpu.memory_space<vmem>>
    %dma_start3A_64 = tpu.memref_squeeze %dma_start3A_63 : memref<1x128xi32, #tpu.memory_space<vmem>> -> memref<128xi32, #tpu.memory_space<vmem>>
    %dma_start3A_65 = arith.constant 0 : i32
    %dma_start3A_66 = arith.constant 0 : i32
    %dma_start3A_67 = tpu.memref_slice %arg8[%dma_start3A_65, %dma_start3A_66] : memref<10240x16xf32, #tpu.memory_space<vmem_shared>> -> memref<10240x16xf32, #tpu.memory_space<vmem_shared>>
    tpu.enqueue_indirect_dma source(%arg6 : memref<128x16xf32, #tpu.memory_space<vmem>>) target(%dma_start3A_67 : memref<10240x16xf32, #tpu.memory_space<vmem_shared>>) offsets(%dma_start3A_64 : memref<128xi32, #tpu.memory_space<vmem>>) semaphore(%arg9 : memref<!tpu.dma_semaphore, #tpu.memory_space<semaphore_mem>>) {add = true}
    %dma_start3A_68 = arith.constant 6 : i32
    %dma_start3A_69 = arith.constant 0 : i32
    %dma_start3A_70 = tpu.memref_slice %arg5[%dma_start3A_68, %dma_start3A_69] : memref<79x128xi32, #tpu.memory_space<vmem>> -> memref<1x128xi32, #tpu.memory_space<vmem>>
    %dma_start3A_71 = tpu.memref_squeeze %dma_start3A_70 : memref<1x128xi32, #tpu.memory_space<vmem>> -> memref<128xi32, #tpu.memory_space<vmem>>
    %dma_start3A_72 = arith.constant 0 : i32
    %dma_start3A_73 = arith.constant 0 : i32
    %dma_start3A_74 = tpu.memref_slice %arg8[%dma_start3A_72, %dma_start3A_73] : memref<10240x16xf32, #tpu.memory_space<vmem_shared>> -> memref<10240x16xf32, #tpu.memory_space<vmem_shared>>
    tpu.enqueue_indirect_dma source(%arg6 : memref<128x16xf32, #tpu.memory_space<vmem>>) target(%dma_start3A_74 : memref<10240x16xf32, #tpu.memory_space<vmem_shared>>) offsets(%dma_start3A_71 : memref<128xi32, #tpu.memory_space<vmem>>) semaphore(%arg9 : memref<!tpu.dma_semaphore, #tpu.memory_space<semaphore_mem>>) {add = true}
    %dma_start3A_75 = arith.constant 7 : i32
    %dma_start3A_76 = arith.constant 0 : i32
    %dma_start3A_77 = tpu.memref_slice %arg5[%dma_start3A_75, %dma_start3A_76] : memref<79x128xi32, #tpu.memory_space<vmem>> -> memref<1x128xi32, #tpu.memory_space<vmem>>
    %dma_start3A_78 = tpu.memref_squeeze %dma_start3A_77 : memref<1x128xi32, #tpu.memory_space<vmem>> -> memref<128xi32, #tpu.memory_space<vmem>>
    %dma_start3A_79 = arith.constant 0 : i32
    %dma_start3A_80 = arith.constant 0 : i32
    %dma_start3A_81 = tpu.memref_slice %arg8[%dma_start3A_79, %dma_start3A_80] : memref<10240x16xf32, #tpu.memory_space<vmem_shared>> -> memref<10240x16xf32, #tpu.memory_space<vmem_shared>>
    tpu.enqueue_indirect_dma source(%arg6 : memref<128x16xf32, #tpu.memory_space<vmem>>) target(%dma_start3A_81 : memref<10240x16xf32, #tpu.memory_space<vmem_shared>>) offsets(%dma_start3A_78 : memref<128xi32, #tpu.memory_space<vmem>>) semaphore(%arg9 : memref<!tpu.dma_semaphore, #tpu.memory_space<semaphore_mem>>) {add = true}
    %scan3A_82 = arith.constant 0 : i32
    %scan3A_83 = arith.constant 0 : i32
    %scan3A_84 = arith.constant 71 : i32
    %scan3A_85 = arith.addi %scan3A_83, %scan3A_84 : i32
    %scan3A_86 = arith.constant 1 : i32
    scf.for %scan3A_148 = %scan3A_83 to %scan3A_85 step %scan3A_86  : i32 {
      %dma_wait3A_149 = arith.constant 0 : i32
      %dma_wait3A_150 = arith.constant 0 : i32
      %dma_wait3A_151 = tpu.memref_slice %arg5[%dma_wait3A_149, %dma_wait3A_150] : memref<79x128xi32, #tpu.memory_space<vmem>> -> memref<1x128xi32, #tpu.memory_space<vmem>>
      %dma_wait3A_152 = tpu.memref_squeeze %dma_wait3A_151 : memref<1x128xi32, #tpu.memory_space<vmem>> -> memref<128xi32, #tpu.memory_space<vmem>>
      %dma_wait3A_153 = arith.constant 0 : i32
      %dma_wait3A_154 = arith.constant 0 : i32
      %dma_wait3A_155 = tpu.memref_slice %arg8[%dma_wait3A_153, %dma_wait3A_154] : memref<10240x16xf32, #tpu.memory_space<vmem_shared>> -> memref<10240x16xf32, #tpu.memory_space<vmem_shared>>
      tpu.wait_indirect_dma semaphore(%arg9 : memref<!tpu.dma_semaphore, #tpu.memory_space<semaphore_mem>>) src(%arg6 : memref<128x16xf32, #tpu.memory_space<vmem>>) dst(%dma_wait3A_155 : memref<10240x16xf32, #tpu.memory_space<vmem_shared>>)
      %add3A_156 = arith.constant 8 : i32
      %add3A_157 = arith.addi %scan3A_148, %add3A_156 : i32
      %dma_start3A_158 = arith.constant 0 : i32
      %dma_start3A_159 = tpu.memref_slice %arg5[%add3A_157, %dma_start3A_158] : memref<79x128xi32, #tpu.memory_space<vmem>> -> memref<1x128xi32, #tpu.memory_space<vmem>>
      %dma_start3A_160 = tpu.memref_squeeze %dma_start3A_159 : memref<1x128xi32, #tpu.memory_space<vmem>> -> memref<128xi32, #tpu.memory_space<vmem>>
      %dma_start3A_161 = arith.constant 0 : i32
      %dma_start3A_162 = arith.constant 0 : i32
      %dma_start3A_163 = tpu.memref_slice %arg8[%dma_start3A_161, %dma_start3A_162] : memref<10240x16xf32, #tpu.memory_space<vmem_shared>> -> memref<10240x16xf32, #tpu.memory_space<vmem_shared>>
      tpu.enqueue_indirect_dma source(%arg6 : memref<128x16xf32, #tpu.memory_space<vmem>>) target(%dma_start3A_163 : memref<10240x16xf32, #tpu.memory_space<vmem_shared>>) offsets(%dma_start3A_160 : memref<128xi32, #tpu.memory_space<vmem>>) semaphore(%arg9 : memref<!tpu.dma_semaphore, #tpu.memory_space<semaphore_mem>>) {add = true}
    }
    %scan3A_87 = arith.constant 71 : i32
    %dma_wait3A = arith.constant 0 : i32
    %dma_wait3A_88 = arith.constant 0 : i32
    %dma_wait3A_89 = tpu.memref_slice %arg5[%dma_wait3A, %dma_wait3A_88] : memref<79x128xi32, #tpu.memory_space<vmem>> -> memref<1x128xi32, #tpu.memory_space<vmem>>
    %dma_wait3A_90 = tpu.memref_squeeze %dma_wait3A_89 : memref<1x128xi32, #tpu.memory_space<vmem>> -> memref<128xi32, #tpu.memory_space<vmem>>
    %dma_wait3A_91 = arith.constant 0 : i32
    %dma_wait3A_92 = arith.constant 0 : i32
    %dma_wait3A_93 = tpu.memref_slice %arg8[%dma_wait3A_91, %dma_wait3A_92] : memref<10240x16xf32, #tpu.memory_space<vmem_shared>> -> memref<10240x16xf32, #tpu.memory_space<vmem_shared>>
    tpu.wait_indirect_dma semaphore(%arg9 : memref<!tpu.dma_semaphore, #tpu.memory_space<semaphore_mem>>) src(%arg6 : memref<128x16xf32, #tpu.memory_space<vmem>>) dst(%dma_wait3A_93 : memref<10240x16xf32, #tpu.memory_space<vmem_shared>>)
    %dma_wait3A_94 = arith.constant 0 : i32
    %dma_wait3A_95 = arith.constant 0 : i32
    %dma_wait3A_96 = tpu.memref_slice %arg5[%dma_wait3A_94, %dma_wait3A_95] : memref<79x128xi32, #tpu.memory_space<vmem>> -> memref<1x128xi32, #tpu.memory_space<vmem>>
    %dma_wait3A_97 = tpu.memref_squeeze %dma_wait3A_96 : memref<1x128xi32, #tpu.memory_space<vmem>> -> memref<128xi32, #tpu.memory_space<vmem>>
    %dma_wait3A_98 = arith.constant 0 : i32
    %dma_wait3A_99 = arith.constant 0 : i32
    %dma_wait3A_100 = tpu.memref_slice %arg8[%dma_wait3A_98, %dma_wait3A_99] : memref<10240x16xf32, #tpu.memory_space<vmem_shared>> -> memref<10240x16xf32, #tpu.memory_space<vmem_shared>>
    tpu.wait_indirect_dma semaphore(%arg9 : memref<!tpu.dma_semaphore, #tpu.memory_space<semaphore_mem>>) src(%arg6 : memref<128x16xf32, #tpu.memory_space<vmem>>) dst(%dma_wait3A_100 : memref<10240x16xf32, #tpu.memory_space<vmem_shared>>)
    %dma_wait3A_101 = arith.constant 0 : i32
    %dma_wait3A_102 = arith.constant 0 : i32
    %dma_wait3A_103 = tpu.memref_slice %arg5[%dma_wait3A_101, %dma_wait3A_102] : memref<79x128xi32, #tpu.memory_space<vmem>> -> memref<1x128xi32, #tpu.memory_space<vmem>>
    %dma_wait3A_104 = tpu.memref_squeeze %dma_wait3A_103 : memref<1x128xi32, #tpu.memory_space<vmem>> -> memref<128xi32, #tpu.memory_space<vmem>>
    %dma_wait3A_105 = arith.constant 0 : i32
    %dma_wait3A_106 = arith.constant 0 : i32
    %dma_wait3A_107 = tpu.memref_slice %arg8[%dma_wait3A_105, %dma_wait3A_106] : memref<10240x16xf32, #tpu.memory_space<vmem_shared>> -> memref<10240x16xf32, #tpu.memory_space<vmem_shared>>
    tpu.wait_indirect_dma semaphore(%arg9 : memref<!tpu.dma_semaphore, #tpu.memory_space<semaphore_mem>>) src(%arg6 : memref<128x16xf32, #tpu.memory_space<vmem>>) dst(%dma_wait3A_107 : memref<10240x16xf32, #tpu.memory_space<vmem_shared>>)
    %dma_wait3A_108 = arith.constant 0 : i32
    %dma_wait3A_109 = arith.constant 0 : i32
    %dma_wait3A_110 = tpu.memref_slice %arg5[%dma_wait3A_108, %dma_wait3A_109] : memref<79x128xi32, #tpu.memory_space<vmem>> -> memref<1x128xi32, #tpu.memory_space<vmem>>
    %dma_wait3A_111 = tpu.memref_squeeze %dma_wait3A_110 : memref<1x128xi32, #tpu.memory_space<vmem>> -> memref<128xi32, #tpu.memory_space<vmem>>
    %dma_wait3A_112 = arith.constant 0 : i32
    %dma_wait3A_113 = arith.constant 0 : i32
    %dma_wait3A_114 = tpu.memref_slice %arg8[%dma_wait3A_112, %dma_wait3A_113] : memref<10240x16xf32, #tpu.memory_space<vmem_shared>> -> memref<10240x16xf32, #tpu.memory_space<vmem_shared>>
    tpu.wait_indirect_dma semaphore(%arg9 : memref<!tpu.dma_semaphore, #tpu.memory_space<semaphore_mem>>) src(%arg6 : memref<128x16xf32, #tpu.memory_space<vmem>>) dst(%dma_wait3A_114 : memref<10240x16xf32, #tpu.memory_space<vmem_shared>>)
    %dma_wait3A_115 = arith.constant 0 : i32
    %dma_wait3A_116 = arith.constant 0 : i32
    %dma_wait3A_117 = tpu.memref_slice %arg5[%dma_wait3A_115, %dma_wait3A_116] : memref<79x128xi32, #tpu.memory_space<vmem>> -> memref<1x128xi32, #tpu.memory_space<vmem>>
    %dma_wait3A_118 = tpu.memref_squeeze %dma_wait3A_117 : memref<1x128xi32, #tpu.memory_space<vmem>> -> memref<128xi32, #tpu.memory_space<vmem>>
    %dma_wait3A_119 = arith.constant 0 : i32
    %dma_wait3A_120 = arith.constant 0 : i32
    %dma_wait3A_121 = tpu.memref_slice %arg8[%dma_wait3A_119, %dma_wait3A_120] : memref<10240x16xf32, #tpu.memory_space<vmem_shared>> -> memref<10240x16xf32, #tpu.memory_space<vmem_shared>>
    tpu.wait_indirect_dma semaphore(%arg9 : memref<!tpu.dma_semaphore, #tpu.memory_space<semaphore_mem>>) src(%arg6 : memref<128x16xf32, #tpu.memory_space<vmem>>) dst(%dma_wait3A_121 : memref<10240x16xf32, #tpu.memory_space<vmem_shared>>)
    %dma_wait3A_122 = arith.constant 0 : i32
    %dma_wait3A_123 = arith.constant 0 : i32
    %dma_wait3A_124 = tpu.memref_slice %arg5[%dma_wait3A_122, %dma_wait3A_123] : memref<79x128xi32, #tpu.memory_space<vmem>> -> memref<1x128xi32, #tpu.memory_space<vmem>>
    %dma_wait3A_125 = tpu.memref_squeeze %dma_wait3A_124 : memref<1x128xi32, #tpu.memory_space<vmem>> -> memref<128xi32, #tpu.memory_space<vmem>>
    %dma_wait3A_126 = arith.constant 0 : i32
    %dma_wait3A_127 = arith.constant 0 : i32
    %dma_wait3A_128 = tpu.memref_slice %arg8[%dma_wait3A_126, %dma_wait3A_127] : memref<10240x16xf32, #tpu.memory_space<vmem_shared>> -> memref<10240x16xf32, #tpu.memory_space<vmem_shared>>
    tpu.wait_indirect_dma semaphore(%arg9 : memref<!tpu.dma_semaphore, #tpu.memory_space<semaphore_mem>>) src(%arg6 : memref<128x16xf32, #tpu.memory_space<vmem>>) dst(%dma_wait3A_128 : memref<10240x16xf32, #tpu.memory_space<vmem_shared>>)
    %dma_wait3A_129 = arith.constant 0 : i32
    %dma_wait3A_130 = arith.constant 0 : i32
    %dma_wait3A_131 = tpu.memref_slice %arg5[%dma_wait3A_129, %dma_wait3A_130] : memref<79x128xi32, #tpu.memory_space<vmem>> -> memref<1x128xi32, #tpu.memory_space<vmem>>
    %dma_wait3A_132 = tpu.memref_squeeze %dma_wait3A_131 : memref<1x128xi32, #tpu.memory_space<vmem>> -> memref<128xi32, #tpu.memory_space<vmem>>
    %dma_wait3A_133 = arith.constant 0 : i32
    %dma_wait3A_134 = arith.constant 0 : i32
    %dma_wait3A_135 = tpu.memref_slice %arg8[%dma_wait3A_133, %dma_wait3A_134] : memref<10240x16xf32, #tpu.memory_space<vmem_shared>> -> memref<10240x16xf32, #tpu.memory_space<vmem_shared>>
    tpu.wait_indirect_dma semaphore(%arg9 : memref<!tpu.dma_semaphore, #tpu.memory_space<semaphore_mem>>) src(%arg6 : memref<128x16xf32, #tpu.memory_space<vmem>>) dst(%dma_wait3A_135 : memref<10240x16xf32, #tpu.memory_space<vmem_shared>>)
    %dma_wait3A_136 = arith.constant 0 : i32
    %dma_wait3A_137 = arith.constant 0 : i32
    %dma_wait3A_138 = tpu.memref_slice %arg5[%dma_wait3A_136, %dma_wait3A_137] : memref<79x128xi32, #tpu.memory_space<vmem>> -> memref<1x128xi32, #tpu.memory_space<vmem>>
    %dma_wait3A_139 = tpu.memref_squeeze %dma_wait3A_138 : memref<1x128xi32, #tpu.memory_space<vmem>> -> memref<128xi32, #tpu.memory_space<vmem>>
    %dma_wait3A_140 = arith.constant 0 : i32
    %dma_wait3A_141 = arith.constant 0 : i32
    %dma_wait3A_142 = tpu.memref_slice %arg8[%dma_wait3A_140, %dma_wait3A_141] : memref<10240x16xf32, #tpu.memory_space<vmem_shared>> -> memref<10240x16xf32, #tpu.memory_space<vmem_shared>>
    tpu.wait_indirect_dma semaphore(%arg9 : memref<!tpu.dma_semaphore, #tpu.memory_space<semaphore_mem>>) src(%arg6 : memref<128x16xf32, #tpu.memory_space<vmem>>) dst(%dma_wait3A_142 : memref<10240x16xf32, #tpu.memory_space<vmem_shared>>)
    %barrier3A_143 = arith.constant 0 : index
    tpu.barrier barrier_id(%barrier3A_143)
    %mul3A_144 = arith.constant 640 : i32
    %mul3A_145 = arith.muli %arg1, %mul3A_144 : i32
    %mul3A_146 = arith.constant 640 : i32
    %mul3A_147 = arith.muli %arg1, %mul3A_146 : i32
    "tpu.region"() ({
      %run_scoped3A = tpu.sem_alloc : memref<!tpu.dma_semaphore, #tpu.memory_space<semaphore_mem>>
      %dma_start3A_148 = arith.constant 0 : i32
      %dma_start3A_149 = tpu.memref_slice %arg4[%arg0, %mul3A_147, %dma_start3A_148] : memref<2x10240x16xf32, #tpu.memory_space<hbm>> -> memref<1x640x16xf32, #tpu.memory_space<hbm>>
      %dma_start3A_150 = tpu.memref_squeeze %dma_start3A_149 : memref<1x640x16xf32, #tpu.memory_space<hbm>> -> memref<640x16xf32, #tpu.memory_space<hbm>>
      %dma_start3A_151 = arith.constant 0 : i32
      %dma_start3A_152 = tpu.memref_slice %arg8[%mul3A_145, %dma_start3A_151] : memref<10240x16xf32, #tpu.memory_space<vmem_shared>> -> memref<640x16xf32, #tpu.memory_space<vmem_shared>>
      tpu.enqueue_dma source(%dma_start3A_152 : memref<640x16xf32, #tpu.memory_space<vmem_shared>>) target(%dma_start3A_150 : memref<640x16xf32, #tpu.memory_space<hbm>>) target_semaphore(%run_scoped3A : memref<!tpu.dma_semaphore, #tpu.memory_space<semaphore_mem>>)
      %dma_wait3A_153 = arith.constant 0 : i32
      %dma_wait3A_154 = tpu.memref_slice %arg4[%arg0, %mul3A_147, %dma_wait3A_153] : memref<2x10240x16xf32, #tpu.memory_space<hbm>> -> memref<1x640x16xf32, #tpu.memory_space<hbm>>
      %dma_wait3A_155 = tpu.memref_squeeze %dma_wait3A_154 : memref<1x640x16xf32, #tpu.memory_space<hbm>> -> memref<640x16xf32, #tpu.memory_space<hbm>>
      %dma_wait3A_156 = arith.constant 0 : i32
      %dma_wait3A_157 = tpu.memref_slice %arg8[%mul3A_145, %dma_wait3A_156] : memref<10240x16xf32, #tpu.memory_space<vmem_shared>> -> memref<640x16xf32, #tpu.memory_space<vmem_shared>>
      tpu.wait_dma2 semaphore(%run_scoped3A : memref<!tpu.dma_semaphore, #tpu.memory_space<semaphore_mem>>) src(%dma_wait3A_157 : memref<640x16xf32, #tpu.memory_space<vmem_shared>>) dst(%dma_wait3A_155 : memref<640x16xf32, #tpu.memory_space<hbm>>)
      tpu.yield
    }) : () -> ()
    return
  }
}

module attributes {stable_mosaic.version = 14 : i64} {
  func.func @_scaled_mm_body(%arg0: i32, %arg1: memref<5000x128xf32, #tpu.memory_space<vmem>>, %arg2: memref<128x128xf32, #tpu.memory_space<vmem>>, %arg3: memref<1x128xf32, #tpu.memory_space<vmem>>, %arg4: memref<2x5000x16xf32, #tpu.memory_space<vmem>>, %arg5: memref<5000x128xf32, #tpu.memory_space<vmem>>) attributes {dimension_semantics = [#tpu.dimension_semantics<arbitrary>], iteration_bounds = array<i64: 2>, scalar_prefetch = 0 : i64, scratch_operands = 0 : i64, tpu.core_type = #tpu.core_type<tc>, window_params = [{transform_indices = @transform_0, window_bounds = array<i64: 5000, 128>}, {pipeline_mode = #tpu.pipeline_mode<synchronous>, transform_indices = @transform_1, window_bounds = array<i64: 128, 128>}, {pipeline_mode = #tpu.pipeline_mode<synchronous>, transform_indices = @transform_2, window_bounds = array<i64: 1, 128>}, {transform_indices = @transform_3, window_bounds = array<i64: 2, 5000, 16>}, {transform_indices = @transform_4, window_bounds = array<i64: 5000, 128>}]} {
    %get3A = arith.constant 0 : index
    %get3A_0 = arith.constant 0 : index
    %get3A_1 = arith.constant 0 : index
    %get3A_2 = vector.load %arg4[%get3A, %get3A_0, %get3A_1] : memref<2x5000x16xf32, #tpu.memory_space<vmem>>, vector<2x5000x16xf32>
    %slice3A = vector.extract_strided_slice %get3A_2 {offsets = [0, 0, 0], sizes = [1, 5000, 1], strides = [1, 1, 1]} : vector<2x5000x16xf32> to vector<1x5000x1xf32>
    %squeeze3A = vector.shape_cast %slice3A : vector<1x5000x1xf32> to vector<5000xf32>
    %slice3A_3 = vector.extract_strided_slice %get3A_2 {offsets = [1, 0, 0], sizes = [1, 5000, 1], strides = [1, 1, 1]} : vector<2x5000x16xf32> to vector<1x5000x1xf32>
    %squeeze3A_4 = vector.shape_cast %slice3A_3 : vector<1x5000x1xf32> to vector<5000xf32>
    %add3A = arith.addf %squeeze3A, %squeeze3A_4 : vector<5000xf32>
    %add3A_5 = arith.constant 1.000000e+00 : f32
    %add3A_6 = vector.broadcast %add3A_5 : f32 to vector<5000xf32>
    %add3A_7 = arith.addf %add3A, %add3A_6 : vector<5000xf32>
    %rsqrt3A = math.rsqrt %add3A_7 : vector<5000xf32>
    %get3A_8 = arith.constant 0 : index
    %get3A_9 = arith.constant 0 : index
    %get3A_10 = vector.load %arg1[%get3A_8, %get3A_9] : memref<5000x128xf32, #tpu.memory_space<vmem>>, vector<5000x128xf32>
    %get3A_11 = arith.constant 0 : index
    %get3A_12 = arith.constant 0 : index
    %get3A_13 = vector.load %arg2[%get3A_11, %get3A_12] : memref<128x128xf32, #tpu.memory_space<vmem>>, vector<128x128xf32>
    %dot_general3A = arith.constant dense<0.000000e+00> : vector<5000x128xf32>
    %dot_general3A_14 = tpu.matmul %get3A_10, %get3A_13, %dot_general3A {dimension_numbers = #tpu.dot_dimension_numbers<[1], [0], [0], [1], [0, 0, 1, 1], [], []>, transpose_lhs_hint = false} : vector<5000x128xf32>, vector<128x128xf32>, vector<5000x128xf32> -> vector<5000x128xf32>
    %broadcast_in_dim3A = vector.shape_cast %rsqrt3A : vector<5000xf32> to vector<5000x1xf32>
    %get3A_15 = arith.constant 0 : index
    %get3A_16 = arith.constant 0 : index
    %get3A_17 = vector.load %arg3[%get3A_15, %get3A_16] : memref<1x128xf32, #tpu.memory_space<vmem>>, vector<1x128xf32>
    %add3A_18 = vector.broadcast %get3A_17 : vector<1x128xf32> to vector<5000x128xf32>
    %add3A_19 = arith.addf %dot_general3A_14, %add3A_18 : vector<5000x128xf32>
    %mul3A = vector.broadcast %broadcast_in_dim3A : vector<5000x1xf32> to vector<5000x128xf32>
    %mul3A_20 = arith.mulf %mul3A, %add3A_19 : vector<5000x128xf32>
    %swap3A = arith.constant 0 : index
    %swap3A_21 = arith.constant 0 : index
    %swap3A_22 = vector.load %arg5[%swap3A, %swap3A_21] : memref<5000x128xf32, #tpu.memory_space<vmem>>, vector<5000x128xf32>
    tpu.vector_store %arg5[%swap3A, %swap3A_21], %mul3A_20 {strides = array<i32>} : memref<5000x128xf32, #tpu.memory_space<vmem>>, vector<5000x128xf32>,
    return
  }
  func.func @transform_0(%arg0: i32) -> (i32, i32) {
    %c0_i32 = arith.constant 0 : i32
    %c0_i32_0 = arith.constant 0 : i32
    return %arg0, %c0_i32 : i32, i32
  }
  func.func @transform_1(%arg0: i32) -> (i32, i32) {
    %c0_i32 = arith.constant 0 : i32
    %c0_i32_0 = arith.constant 0 : i32
    %c0_i32_1 = arith.constant 0 : i32
    return %c0_i32, %c0_i32_0 : i32, i32
  }
  func.func @transform_2(%arg0: i32) -> (i32, i32) {
    %c0_i32 = arith.constant 0 : i32
    %c0_i32_0 = arith.constant 0 : i32
    %c0_i32_1 = arith.constant 0 : i32
    return %c0_i32, %c0_i32_0 : i32, i32
  }
  func.func @transform_3(%arg0: i32) -> (i32, i32, i32) {
    %c0_i32 = arith.constant 0 : i32
    %c0_i32_0 = arith.constant 0 : i32
    %c0_i32_1 = arith.constant 0 : i32
    return %c0_i32, %arg0, %c0_i32_0 : i32, i32, i32
  }
  func.func @transform_4(%arg0: i32) -> (i32, i32) {
    %c0_i32 = arith.constant 0 : i32
    %c0_i32_0 = arith.constant 0 : i32
    return %arg0, %c0_i32 : i32, i32
  }
}

module attributes {stable_mosaic.version = 14 : i64} {
  func.func @_epilogue_body(%arg0: i32, %arg1: memref<5000x128xf32, #tpu.memory_space<vmem>>, %arg2: memref<5000x128xf32, #tpu.memory_space<vmem>>, %arg3: memref<2x5000x16xf32, #tpu.memory_space<vmem>>, %arg4: memref<5000x128xf32, #tpu.memory_space<vmem>>) attributes {dimension_semantics = [#tpu.dimension_semantics<arbitrary>], iteration_bounds = array<i64: 2>, scalar_prefetch = 0 : i64, scratch_operands = 0 : i64, tpu.core_type = #tpu.core_type<tc>, window_params = [{transform_indices = @transform_0, window_bounds = array<i64: 5000, 128>}, {transform_indices = @transform_1, window_bounds = array<i64: 5000, 128>}, {transform_indices = @transform_2, window_bounds = array<i64: 2, 5000, 16>}, {transform_indices = @transform_3, window_bounds = array<i64: 5000, 128>}]} {
    %get3A = arith.constant 0 : index
    %get3A_0 = arith.constant 0 : index
    %get3A_1 = arith.constant 0 : index
    %get3A_2 = vector.load %arg3[%get3A, %get3A_0, %get3A_1] : memref<2x5000x16xf32, #tpu.memory_space<vmem>>, vector<2x5000x16xf32>
    %slice3A = vector.extract_strided_slice %get3A_2 {offsets = [0, 0, 0], sizes = [1, 5000, 1], strides = [1, 1, 1]} : vector<2x5000x16xf32> to vector<1x5000x1xf32>
    %squeeze3A = vector.shape_cast %slice3A : vector<1x5000x1xf32> to vector<5000xf32>
    %slice3A_3 = vector.extract_strided_slice %get3A_2 {offsets = [1, 0, 0], sizes = [1, 5000, 1], strides = [1, 1, 1]} : vector<2x5000x16xf32> to vector<1x5000x1xf32>
    %squeeze3A_4 = vector.shape_cast %slice3A_3 : vector<1x5000x1xf32> to vector<5000xf32>
    %add3A = arith.addf %squeeze3A, %squeeze3A_4 : vector<5000xf32>
    %add3A_5 = arith.constant 1.000000e+00 : f32
    %add3A_6 = vector.broadcast %add3A_5 : f32 to vector<5000xf32>
    %add3A_7 = arith.addf %add3A, %add3A_6 : vector<5000xf32>
    %rsqrt3A = math.rsqrt %add3A_7 : vector<5000xf32>
    %get3A_8 = arith.constant 0 : index
    %get3A_9 = arith.constant 0 : index
    %get3A_10 = vector.load %arg1[%get3A_8, %get3A_9] : memref<5000x128xf32, #tpu.memory_space<vmem>>, vector<5000x128xf32>
    %get3A_11 = arith.constant 0 : index
    %get3A_12 = arith.constant 0 : index
    %get3A_13 = vector.load %arg2[%get3A_11, %get3A_12] : memref<5000x128xf32, #tpu.memory_space<vmem>>, vector<5000x128xf32>
    %add3A_14 = arith.addf %get3A_10, %get3A_13 : vector<5000x128xf32>
    %broadcast_in_dim3A = vector.shape_cast %rsqrt3A : vector<5000xf32> to vector<5000x1xf32>
    %mul3A = vector.broadcast %broadcast_in_dim3A : vector<5000x1xf32> to vector<5000x128xf32>
    %mul3A_15 = arith.mulf %mul3A, %add3A_14 : vector<5000x128xf32>
    %max3A = arith.constant 0.000000e+00 : f32
    %max3A_16 = vector.broadcast %max3A : f32 to vector<5000x128xf32>
    %max3A_17 = arith.maximumf %mul3A_15, %max3A_16 : vector<5000x128xf32>
    %swap3A = arith.constant 0 : index
    %swap3A_18 = arith.constant 0 : index
    %swap3A_19 = vector.load %arg4[%swap3A, %swap3A_18] : memref<5000x128xf32, #tpu.memory_space<vmem>>, vector<5000x128xf32>
    tpu.vector_store %arg4[%swap3A, %swap3A_18], %max3A_17 {strides = array<i32>} : memref<5000x128xf32, #tpu.memory_space<vmem>>, vector<5000x128xf32>,
    return
  }
  func.func @transform_0(%arg0: i32) -> (i32, i32) {
    %c0_i32 = arith.constant 0 : i32
    %c0_i32_0 = arith.constant 0 : i32
    return %arg0, %c0_i32 : i32, i32
  }
  func.func @transform_1(%arg0: i32) -> (i32, i32) {
    %c0_i32 = arith.constant 0 : i32
    %c0_i32_0 = arith.constant 0 : i32
    return %arg0, %c0_i32 : i32, i32
  }
  func.func @transform_2(%arg0: i32) -> (i32, i32, i32) {
    %c0_i32 = arith.constant 0 : i32
    %c0_i32_0 = arith.constant 0 : i32
    %c0_i32_1 = arith.constant 0 : i32
    return %c0_i32, %arg0, %c0_i32_0 : i32, i32, i32
  }
  func.func @transform_3(%arg0: i32) -> (i32, i32) {
    %c0_i32 = arith.constant 0 : i32
    %c0_i32_0 = arith.constant 0 : i32
    return %arg0, %c0_i32 : i32, i32
  }
}

</mosaic_0001>

<sc_bundles>
// kernel: kernel.6.cloned.1.call-start
scs
__scs_entry_jumppad:
0x0: {  	(pc) =	sbr.rel $0x88, $3  }
0x1: {  	(tag) =	ssettag $0x0;
	lr =	simm.s32 $0x1  }
0x2: {  	[smem:$0x3F9D] =	sst lr;
	_ =	strace $0xD0000000  }
0x3: {  	_ = 	snop  }
0x4: {  	_ = 	snop  }
0x5: {  	_ = 	snop  }
0x6: {  	_ = 	snop  }
0x7: {  	_ = 	snop  }
__scs_overlays_trampoline_lowered:
0x8: {  	[smem:$0x3FAC] =	sst s0  }
0x9: {  	[smem:$0x3FAD] =	sst s1  }
0xa: {  	[smem:$0x3FAE] =	sst s2  }
0xb: {  	[smem:$0x3FAF] =	sst s3  }
0xc: {  	[smem:$0x3FB0] =	sst s4  }
0xd: {  	[smem:$0x3FB1] =	sst s5  }
0xe: {  	[smem:$0x3FB2] =	sst s6  }
0xf: {  	[smem:$0x3FB3] =	sst s7  }
0x10: {  	[smem:$0x3FB4] =	sst s8  }
0x11: {  	[smem:$0x3FB5] =	sst s9;
	s0 =	simm.s32 @!p0 $0x0  }
0x12: {  	s1 =	sld [smem:$0x3F9B];
	s0 =	simm.s32 @p0 $0x1  }
0x13: {  	[smem:$0x3FB6] =	sst s0;
	s0 =	simm.s32 @!p1 $0x0  }
0x14: {  	s2 =	sld [smem:$0x3F9A];
	s0 =	simm.s32 @p1 $0x1  }
0x15: {  	[smem:$0x3FB7] =	sst s0;
	s0 =	simm.s32 @!p2 $0x0  }
0x16: {  	s3 =	sld [smem:$0x3FDB];
	s0 =	simm.s32 @p2 $0x1  }
0x17: {  	s4 =	simm.s32 $0x1BF5;
	[smem:$0x3FB9] =	sst s0  }
0x18: {  	s0 =	sld [smem:$0x3F9C];
	_ =	swait.ge [sflag:s4], $0x0  }
0x19: {  	s7 =	sld [smem:$0x3F9D]  }
0x1a: {  	s8 =	sadd.s32 $0xFFFFE003, lr  }
0x1b: {  	s9 =	sadd.s32 $0xFFFFFEF7, lr;
	s5 =	simm.s32 $0xFFFFFFFF;
	p2 =	slt.u32 s8, $0xFFFFF086  }
0x1c: {  	p1 =	slt.u32 s9, $0xF7A;
	s5 =	simm.s32 @!p2 $0x0  }
0x1d: {  	s5 =	simm.s32 @p1 $0x1;
	p0 =	seq.s32 s7, s2  }
0x1e: {  	s7 =	smul.u32 @!p0 $0xF7A, s2;
	p2 =	seq.s32 @!p0 s5, $0x0  }
0x1f: {  	s9 =	smul.u32 $0xF7A, s1;
	s8 =	simm.s32 @!p0 $0x1BF5;
	p2 =	por !p2, p0  }
0x20: {  	[sflag:s8] =	ssyncset.s32 @!p0 $0xFFFFF086;
	s6 =	sadd.s32 @!p0 s3, s7;
	s7 =	simm.s32 @!p0 $0x108  }
0x21: {  	s3 =	sadd.s32 s3, s9;
	s6 =	sadd.s32 @!p0 $0x88, s6;
	s7 =	simm.s32 @p2 $0x1082  }
0x22: {  	[simem:s7], [sflag:s8] =	dma.local @!p0 [hbm:s6], $0xF7A  }
0x23: {  	s9 =	sor.u32 $0xD0000000, s2;
	s6 =	simm.s32 $0x108;
	_ =	swait.ge @!p0 [sflag:s8], $0x0  }
0x24: {  	s3 =	sadd.s32 $0x88, s3;
	s6 =	simm.s32 @!p1 $0x1082;
	[sflag:s4] =	ssyncset.s32 $0xFFFFF086  }
0x25: {  	[simem:s6], [sflag:s4] =	dma.local [hbm:s3], $0xF7A  }
0x26: {  	[smem:$0x3F9D] =	sst s1;
	(tag) =	ssettag s2;
	_ =	strace s9  }
0x27: {  	s1 =	sld [smem:$0x3FAD]  }
0x28: {  	s2 =	sld [smem:$0x3FAE]  }
0x29: {  	s4 =	sld [smem:$0x3FB0]  }
0x2a: {  	p0 =	seq.s32 s5, $0x0;
	s5 =	sld [smem:$0x3FB1]  }
0x2b: {  	s6 =	sld [smem:$0x3FB2]  }
0x2c: {  	s7 =	sld [smem:$0x3FB3]  }
0x2d: {  	s3 =	simm.s32 $0x108;
	s8 =	sld [smem:$0x3FB4]  }
0x2e: {  	s3 =	simm.s32 @!p0 $0x1082;
	s9 =	sld [smem:$0x3FB5]  }
0x2f: {  	lr =	sadd.s32 s0, s3;
	s0 =	sld [smem:$0x3FAC]  }
0x30: {  	s3 =	sld [smem:$0x3FAF]  }
0x31: {  	[smem:$0x3FB8] =	sst s10  }
0x32: {  	s10 =	sld [smem:$0x3FB6];
	_ =	sdelay $0x3  }
0x33: {  	p0 =	seq.s32 s10, $0x1;
	s10 =	sld [smem:$0x3FB8];
	_ =	sdelay $0x3  }
0x34: {  	[smem:$0x3FB8] =	sst s10  }
0x35: {  	s10 =	sld [smem:$0x3FB7];
	_ =	sdelay $0x3  }
0x36: {  	p1 =	seq.s32 s10, $0x1;
	s10 =	sld [smem:$0x3FB8];
	_ =	sdelay $0x3  }
0x37: {  	[smem:$0x3FB8] =	sst s10  }
0x38: {  	s10 =	sld [smem:$0x3FB9]  }
0x39: {  	_ = 	snop;
	(pc) =	sbr.ind lr, $3  }
0x3a: {  	_ = 	snop  }
0x3b: {  	_ = 	snop  }
0x3c: {  	p2 =	seq.s32 s10, $0x1;
	s10 =	sld [smem:$0x3FB8]  }
0x3d: {  	_ =	shalt  }
0x3e: {  	_ =	shalt  }
0x3f: {  	_ =	shalt  }
0x40: {  	_ =	shalt  }
0x41: {  	_ =	shalt  }
0x42: {  	_ =	shalt  }
0x43: {  	_ =	shalt  }
0x44: {  	_ =	shalt  }
0x45: {  	_ =	shalt  }
0x46: {  	_ =	shalt  }
0x47: {  	_ =	shalt  }
0x48: {  	_ =	shalt  }
0x49: {  	_ =	shalt  }
0x4a: {  	_ =	shalt  }
0x4b: {  	_ =	shalt  }
0x4c: {  	_ =	shalt  }
0x4d: {  	_ =	shalt  }
0x4e: {  	_ =	shalt  }
0x4f: {  	_ =	shalt  }
0x50: {  	_ =	shalt  }
0x51: {  	_ =	shalt  }
0x52: {  	_ =	shalt  }
0x53: {  	_ =	shalt  }
0x54: {  	_ =	shalt  }
0x55: {  	_ =	shalt  }
0x56: {  	_ =	shalt  }
0x57: {  	_ =	shalt  }
0x58: {  	_ =	shalt  }
0x59: {  	_ =	shalt  }
0x5a: {  	_ =	shalt  }
0x5b: {  	_ =	shalt  }
0x5c: {  	_ =	shalt  }
0x5d: {  	_ =	shalt  }
0x5e: {  	_ =	shalt  }
0x5f: {  	_ =	shalt  }
0x60: {  	_ =	shalt  }
0x61: {  	_ =	shalt  }
0x62: {  	_ =	shalt  }
0x63: {  	_ =	shalt  }
0x64: {  	_ =	shalt  }
0x65: {  	_ =	shalt  }
0x66: {  	_ =	shalt  }
0x67: {  	_ =	shalt  }
0x68: {  	_ =	shalt  }
0x69: {  	_ =	shalt  }
0x6a: {  	_ =	shalt  }
0x6b: {  	_ =	shalt  }
0x6c: {  	_ =	shalt  }
0x6d: {  	_ =	shalt  }
0x6e: {  	_ =	shalt  }
0x6f: {  	_ =	shalt  }
0x70: {  	_ =	shalt  }
0x71: {  	_ =	shalt  }
0x72: {  	_ =	shalt  }
0x73: {  	_ =	shalt  }
0x74: {  	_ =	shalt  }
0x75: {  	_ =	shalt  }
0x76: {  	_ =	shalt  }
0x77: {  	_ =	shalt  }
0x78: {  	_ =	shalt  }
0x79: {  	_ =	shalt  }
0x7a: {  	_ =	shalt  }
0x7b: {  	_ =	shalt  }
0x7c: {  	_ =	shalt  }
0x7d: {  	_ =	shalt  }
0x7e: {  	_ =	shalt  }
0x7f: {  	_ =	shalt  }
0x80: {  	_ =	shalt  }
0x81: {  	_ =	shalt  }
0x82: {  	_ =	shalt  }
0x83: {  	_ =	shalt  }
0x84: {  	_ =	shalt  }
0x85: {  	_ =	shalt  }
0x86: {  	_ =	shalt  }
0x87: {  	_ =	shalt  }
.Lfunc_end0:
.L_simem_size_0:
called_computation_lowered:
.L_overlay_start_0:
0x88: {  	s2 =	sld [smem:$0x3FD9]  }
0x89: {  	s3 =	sld [smem:$0x3FFE];
	_ =	sdelay $0x1  }
0x8a: {  	s1 =	srdreg.scid  }
0x8b: {  	s0 =	sand.u32 $0x1, s1  }
0x8c: {  	s17 =	sshll.u32 s0, $0xA;
	s2 =	sadd.s32 s3, s2  }
0x8d: {  	s2 =	sadd.s32 s2, s17  }
0x8e: {  	[smem:$0x3FC4] =	sst s2  }
0x8f: {  	_ = 	snop  }
0x90: {  	s2 =	sld [smem:$0x3FD0];
	(tm) =	ssettm $0x1  }
0x91: {  	s18 =	sld [smem:$0x3FFB];
	_ =	sdelay $0x3  }
0x92: {  	_ =	strace s18  }
0x93: {  	s3 =	sld [smem:$0x3FFC];
	_ =	sdelay $0x3  }
0x94: {  	_ =	strace s3  }
0x95: {  	s3 =	sld [smem:$0x3FFD];
	_ =	sdelay $0x3  }
0x96: {  	_ =	strace s3  }
0x97: {  	_ =	strace $0x8FFFFFFF  }
0x98: {  	s19 =	sld [smem:$0x3FDB];
	_ =	sdelay $0x1  }
0x99: {  	s4 =	simm.s32 $_scs_section_size  }
0x9a: {  	s5 =	simm.s32 $_size__tile_overlayer_lowered;
	s6 =	simm.s32 $_tile_overlayer_lowered  }
0x9b: {  	s22 =	simm.s32 $0x1BFF;
	s21 =	sshll.u32 s6, $0x1;
	s3 =	sadd.s32 s4, s19  }
0x9c: {  	s7 =	simm.s32 $0x0;
	s20 =	sshll.u32 s5, $0x1;
	s5 =	sadd.s32 s21, s3  }
0x9d: {  	[timem:s7], [sflag:s22] =	dma.local [hbm:s5], s20  }
0x9e: {  	_ =	swait.ge [sflag:s22], s20  }
0x9f: {  	s4 =	ssub.s32 $0x0, s20;
	[sflag:s22] =	ssyncset.done $0x0  }
0xa0: {  	[sflag:s22] =	ssyncadd.s32 s4;
	_ =	sdelay $0x1  }
0xa1: {  	s23 =	simm.s32 $0x1B8B  }
0xa2: {  	_ =	swait.ge [sflag:s23], $0x1  }
0xa3: {  	[sflag:s23] =	ssyncset.done $0x0  }
0xa4: {  	s25 =	simm.s32 $0x1B8E;
	s24 =	sld [smem:$0x3FFE];
	[sflag:s23] =	ssyncadd.s32 $0xFFFFFFFF  }
0xa5: {  	s26 =	simm.s32 $execute0_lowered;
	[smem:$0x3FD2] =	sst s25  }
0xa6: {  	s5 =	sshll.u32 s26, $0x1;
	_ =	strace $0x80000046;
	[dreg:$0x1] =	wrdreg $0xFFFFFFFF  }
0xa7: {  	s28 =	simm.s32 $_size_execute0_lowered;
	s3 =	sadd.s32 s3, s5;
	[dreg:$0x0] =	wrdreg $0x0  }
0xa8: {  	s5 =	sshll.u32 s28, $0x1;
	[dreg:$0x2] =	wrdreg s3  }
0xa9: {  	[dreg:$0x3] =	wrdreg s5  }
0xaa: {  	[dreg:$0x4] =	wrdreg $0xC0  }
0xab: {  	_ =	task [dreg:s7], $0x5FFFF  }
0xac: {  	[dreg:$0x1] =	wrdreg $0xFFFFFFFF  }
0xad: {  	[dreg:$0x0] =	wrdreg $0x60  }
0xae: {  	[dreg:$0x2] =	wrdreg s24  }
0xaf: {  	[dreg:$0x3] =	wrdreg s2  }
0xb0: {  	[dreg:$0x4] =	wrdreg $0x37800  }
0xb1: {  	[dreg:$0x5] =	wrdreg $0x9  }
0xb2: {  	_ =	task.clear_ibuf [dreg:s7], $0x6FFFF;
	_ =	strace $0x90000046  }
0xb3: {  	s29 =	simm.s32 $0x9;
	_ =	strace $0x80000048  }
0xb4: {  	_ =	swait.ge [sflag:s29], $0x1  }
0xb5: {  	[sflag:s29] =	ssyncadd.s32 $0xFFFFFFFF  }
0xb6: {  	_ =	strace $0x90000048  }
0xb7: {  	_ =	sfence  }
0xb8: {  	s30 =	sld [smem:$0x0];
	_ =	sdelay $0x2  }
0xb9: {  	s31 =	sshll.u32 s1, $0xD;
	s1 =	sshrl.u32 s1, $0x2  }
0xba: {  	s3 =	sand.u32 $0x4000, s31;
	s1 =	sadd.s32 s1, s30  }
0xbb: {  	s0 =	sor.u32 s3, s0;
	s1 =	sshll.u32 s1, $0x11  }
0xbc: {  	s0 =	sor.u32 s1, s0  }
0xbd: {  	s0 =	sadd.s32 $0x8F2B, s0  }
0xbe: {  	[sflag:s0] =	ssyncadd.remote.s32 $0x1  }
0xbf: {  	_ =	sfence.sel $0xFFFF  }
0xc0: {  	[dreg:$0x0] =	wrdreg $0xFFFFFFFF;
	(pc) =	sbr.abs _section_cstart, $3  }
0xc1: {  	[dreg:$0x1] =	wrdreg $0xFFFFFFFF  }
0xc2: {  	_ =	task.clear_ibuf [dreg:s7], $0x2FFFF;
	_ =	strace $0x9FFFFFFF  }
0xc3: {  	(tm) =	ssettm $0x7FFFFFFF  }
tec
execute0_lowered:
.L_overlay_start_1:
0x0: {  	(tag) =	ssettag $0x1  }
0x1: {  	s4 =	rddreg [dreg:$0x0]  }
0x2: {  	s1 =	srdreg.scid;
	s11 =	rddreg [dreg:$0x1]  }
0x3: {  	s0 =	stileid.u32;
	s2 =	rddreg [dreg:$0x2];
	s3 =	simm.s32 $0x0  }
0x4: {  	s14 =	simm.s32 $0x2;
	s15 =	simm.s32 $0x2780;
	s16 =	simm.s32 $0x80  }
0x5: {  	s17 =	simm.s32 $0x100;
	s18 =	simm.s32 $0x180;
	s19 =	simm.s32 $0x200  }
0x6: {  	s20 =	simm.s32 $0x280;
	s21 =	simm.s32 $0x300;
	s22 =	simm.s32 $0x380  }
0x7: {  	s23 =	simm.s32 $0x1;
	s24 =	simm.s32 $0x0;
	s30 =	smul.u32 $0xA000, s0  }
0x8: {  	s5 =	sand.u32 $0x1, s1;
	s29 =	sshll.u32 s0, $0x1;
	s8 =	smul.u32 $0x2800, s0  }
0x9: {  	s1 =	rddreg [dreg:$0x3];
	s6 =	sor.u32 s5, s29;
	s12 =	smul.u32 $0x28000, s5  }
0xa: {  	[smem:$0x7FF] =	sst s3;
	s7 =	ssub.s32 $0x2, s5;
	s6 =	smul.u32 $0x4F0, s6  }
0xb: {  	_ =	strace $0x80000047;
	s9 =	sshrl.u32 s7, $0x1;
	s5 =	sadd.s32 s8, s2  }
0xc: {  	s13 =	ssub.s32 s7, s9;
	s12 =	sadd.s32 s8, s12;
	s10 =	sadd.s32 s6, s4  }
0xd: {  	s4 =	sadd.s32 $0xB000, s4;
	s6 =	sshrl.u32 s30, $0x2;
	s12 =	sshrl.u32 s12, $0x3  }
0xe: {  	s31 =	sadd.s32 s6, s2;
	s10 =	sadd.s32 $0x1200, s10;
	s11 =	sadd.s32 s11, s12  }
0xf: {  	s12 =	smax.u32 s13, $0x1;
	s13 =	simm.s32 $0x2F80;
	s6 =	sadd.s32 $0x800, s31  }
0x10: {  	v0 =	vimm.f32 $0.0e+00;
	s7 =	sadd.s32 $0x1000, s31;
	s8 =	sadd.s32 $0x1800, s31;
	s9 =	sadd.s32 $0x2000, s31  }
.LBB2_1:
0x11: {  	s25 =	simm.s32 $0x40;
	s26 =	simm.s32 $0x0  }
.LBB2_2:
0x12: {  	p0 =	sne.s32 s25, $0x1FC0;
	[tilespmem:s26+$0x2F80] =	vst v0;
	s26 =	smov.u32 s25;
	s25 =	sadd.s32 $0x40, s25  }
.Ltmp0:
0x13: {  	(pc) =	sbr.rel @p0 .LBB2_2-.Ltmp0, $2  }
0x14: {  	_ =	sdelay $0x2  }
0x15: {  	s26 =	sshra.s32 s26, $0x2  }
0x16: {  	[tilespmem:s26+$0x2F80] =	vst v0  }
0x17: {  	[spmem:s5] =	stream.linear.scatter [tilespmem:s13], [sflag:$0x2], $0x800, $0x38;
	[tilespmem:$0x5F80] =	vst v63  }
0x18: {  	_ =	swait.ge [sflag:s14], $0x800  }
0x19: {  	[sflag:s14] =	ssyncset.done $0x0  }
0x1a: {  	[sflag:s14] =	ssyncadd.s32 $0xFFFFF800  }
0x1b: {  	[spmem:s6] =	stream.linear.scatter [tilespmem:s13], [sflag:$0x2], $0x800, $0x38;
	[tilespmem:$0x5F80] =	vst v63  }
0x1c: {  	_ =	swait.ge [sflag:s14], $0x800  }
0x1d: {  	[sflag:s14] =	ssyncset.done $0x0  }
0x1e: {  	[sflag:s14] =	ssyncadd.s32 $0xFFFFF800  }
0x1f: {  	[spmem:s7] =	stream.linear.scatter [tilespmem:s13], [sflag:$0x2], $0x800, $0x38;
	[tilespmem:$0x5F80] =	vst v63  }
0x20: {  	_ =	swait.ge [sflag:s14], $0x800  }
0x21: {  	[sflag:s14] =	ssyncset.done $0x0  }
0x22: {  	[sflag:s14] =	ssyncadd.s32 $0xFFFFF800  }
0x23: {  	[spmem:s8] =	stream.linear.scatter [tilespmem:s13], [sflag:$0x2], $0x800, $0x38;
	[tilespmem:$0x5F80] =	vst v63  }
0x24: {  	_ =	swait.ge [sflag:s14], $0x800  }
0x25: {  	[sflag:s14] =	ssyncset.done $0x0  }
0x26: {  	[sflag:s14] =	ssyncadd.s32 $0xFFFFF800  }
0x27: {  	[spmem:s9] =	stream.linear.scatter [tilespmem:s13], [sflag:$0x2], $0x800, $0x38;
	[tilespmem:$0x5F80] =	vst v63  }
0x28: {  	_ =	swait.ge [sflag:s14], $0x800  }
0x29: {  	[sflag:s14] =	ssyncset.done $0x0  }
0x2a: {  	[sflag:s14] =	ssyncadd.s32 $0xFFFFF800  }
0x2b: {  	[tilespmem:s15], [sflag:$0x2] =	stream.linear.gather [hbm4b:s4+s3], $0x800, $0x38;
	[tilespmem:$0x5F80] =	vst v63  }
0x2c: {  	_ =	swait.ge [sflag:s14], $0x800  }
0x2d: {  	[sflag:s14] =	ssyncset.done $0x0  }
0x2e: {  	[sflag:s14] =	ssyncadd.s32 $0xFFFFF800  }
0x2f: {  	[tilespmem:s3], [sflag:$0x2] =	stream.linear.gather [hbm4b:s10+s3], $0x2780, $0x38;
	[tilespmem:$0x5F80] =	vst v63  }
0x30: {  	_ =	swait.ge [sflag:s14], $0x2780  }
0x31: {  	[sflag:s14] =	ssyncset.done $0x0  }
0x32: {  	[sflag:s14] =	ssyncadd.s32 $0xFFFFD880  }
0x33: {  	[bflag:$0x0] =	sbarrier.arrive $0xFFFF  }
0x34: {  	[spmem:s2] =	stream.indirect.scatter.add.f32 [tilespmem:s15], [sflag:$0x1], $0x10, s3, s16, $0xb8;
	[tilespmem:$0x5F80] =	vst v63  }
0x35: {  	_ = 	snop  }
0x36: {  	[spmem:s2] =	stream.indirect.scatter.add.f32 [tilespmem:s15], [sflag:$0x1], $0x10, s16, s16, $0xb8;
	[tilespmem:$0x5F80] =	vst v63  }
0x37: {  	_ = 	snop  }
0x38: {  	[spmem:s2] =	stream.indirect.scatter.add.f32 [tilespmem:s15], [sflag:$0x1], $0x10, s17, s16, $0xb8;
	[tilespmem:$0x5F80] =	vst v63  }
0x39: {  	_ = 	snop  }
0x3a: {  	[spmem:s2] =	stream.indirect.scatter.add.f32 [tilespmem:s15], [sflag:$0x1], $0x10, s18, s16, $0xb8;
	[tilespmem:$0x5F80] =	vst v63  }
0x3b: {  	_ = 	snop  }
0x3c: {  	[spmem:s2] =	stream.indirect.scatter.add.f32 [tilespmem:s15], [sflag:$0x1], $0x10, s19, s16, $0xb8;
	[tilespmem:$0x5F80] =	vst v63  }
0x3d: {  	_ = 	snop  }
0x3e: {  	[spmem:s2] =	stream.indirect.scatter.add.f32 [tilespmem:s15], [sflag:$0x1], $0x10, s20, s16, $0xb8;
	[tilespmem:$0x5F80] =	vst v63  }
0x3f: {  	_ = 	snop  }
0x40: {  	[spmem:s2] =	stream.indirect.scatter.add.f32 [tilespmem:s15], [sflag:$0x1], $0x10, s21, s16, $0xb8;
	[tilespmem:$0x5F80] =	vst v63  }
0x41: {  	_ = 	snop  }
0x42: {  	[spmem:s2] =	stream.indirect.scatter.add.f32 [tilespmem:s15], [sflag:$0x1], $0x10, s22, s16, $0xb8;
	[tilespmem:$0x5F80] =	vst v63  }
0x43: {  	_ =	swait.ge [sflag:s23], $0x800  }
0x44: {  	[sflag:s23] =	ssyncset.done $0x0  }
0x45: {  	s25 =	simm.s32 $0x1200;
	s26 =	simm.s32 $0x400;
	[sflag:s23] =	ssyncadd.s32 $0xFFFFF800  }
.LBB2_4:
0x46: {  	[spmem:s2] =	stream.indirect.scatter.add.f32 [tilespmem:s15], [sflag:$0x1], $0x10, s26, s16, $0xb8;
	[tilespmem:$0x5F80] =	vst v63  }
0x47: {  	s26 =	smov.u32 s25;
	p0 =	sne.s32 s25, $0x9C00  }
.Ltmp1:
0x48: {  	s25 =	sadd.s32 $0x200, s25;
	(pc) =	sbr.rel @p0 .LBB2_4-.Ltmp1, $4  }
0x49: {  	_ = 	snop  }
0x4a: {  	_ =	swait.ge [sflag:s23], $0x800  }
0x4b: {  	[sflag:s23] =	ssyncset.done $0x0  }
0x4c: {  	s26 =	sshra.s32 s26, $0x2;
	[sflag:s23] =	ssyncadd.s32 $0xFFFFF800  }
0x4d: {  	[spmem:s2] =	stream.indirect.scatter.add.f32 [tilespmem:s15], [sflag:$0x1], $0x10, s26, s16, $0xb8;
	[tilespmem:$0x5F80] =	vst v63  }
0x4e: {  	_ =	swait.ge [sflag:s23], $0x800  }
0x4f: {  	[sflag:s23] =	ssyncset.done $0x0  }
0x50: {  	[sflag:s23] =	ssyncadd.s32 $0xFFFFF800  }
0x51: {  	_ =	swait.ge [sflag:s23], $0x800  }
0x52: {  	[sflag:s23] =	ssyncset.done $0x0  }
0x53: {  	[sflag:s23] =	ssyncadd.s32 $0xFFFFF800  }
0x54: {  	_ =	swait.ge [sflag:s23], $0x800  }
0x55: {  	[sflag:s23] =	ssyncset.done $0x0  }
0x56: {  	[sflag:s23] =	ssyncadd.s32 $0xFFFFF800  }
0x57: {  	_ =	swait.ge [sflag:s23], $0x800  }
0x58: {  	[sflag:s23] =	ssyncset.done $0x0  }
0x59: {  	[sflag:s23] =	ssyncadd.s32 $0xFFFFF800  }
0x5a: {  	_ =	swait.ge [sflag:s23], $0x800  }
0x5b: {  	[sflag:s23] =	ssyncset.done $0x0  }
0x5c: {  	[sflag:s23] =	ssyncadd.s32 $0xFFFFF800  }
0x5d: {  	_ =	swait.ge [sflag:s23], $0x800  }
0x5e: {  	[sflag:s23] =	ssyncset.done $0x0  }
0x5f: {  	[sflag:s23] =	ssyncadd.s32 $0xFFFFF800  }
0x60: {  	_ =	swait.ge [sflag:s23], $0x800  }
0x61: {  	[sflag:s23] =	ssyncset.done $0x0  }
0x62: {  	[sflag:s23] =	ssyncadd.s32 $0xFFFFF800  }
0x63: {  	_ =	swait.ge [sflag:s23], $0x800  }
0x64: {  	s25 =	sshll.u32 s0, $0x6;
	s24 =	sadd.s32 $0x1, s24;
	[sflag:s23] =	ssyncset.done $0x0  }
0x65: {  	s31 =	sshrl.u32 s5, $0x3;
	p0 =	sne.s32 s24, s12;
	[sflag:s23] =	ssyncadd.s32 $0xFFFFF800  }
.Ltmp2:
0x66: {  	s25 =	sor.u32 $0x1C02, s25;
	[bflag:$0x0] =	sbarrier.arrive $0xFFFF;
	(pc) =	sbr.rel @p0 .LBB2_1-.Ltmp2, $4  }
0x67: {  	[hbm:s11], [sflag:s25] =	dma.local [spmem:s31], $0x500  }
0x68: {  	_ =	swait.ge [sflag:s14], $0x500  }
0x69: {  	[sflag:s14] =	ssyncset.done $0x0  }
0x6a: {  	[sflag:s14] =	ssyncadd.s32 $0xFFFFFB00  }
0x6b: {  	_ =	sfence.sel $0x180000  }
0x6c: {  	[bflag:$0x0] =	sbarrier.arrive $0xFFFF  }
0x6d: {  	p0 =	sne.s32 s0, $0x0;
	_ =	strace $0x90000047  }
0x6e: {  	s0 =	sadd.s32 @!p0 $0x100000, s1;
	[bflag:$0x2] =	sbarrier.arrive $0xFFFF  }
0x6f: {  	[sflag:s0] =	ssyncadd.tile.s32 @!p0 $0x1;
	_ =	shalt  }
.Lfunc_end2:
_tile_overlayer_lowered:
.L_overlay_start_2:
0x70: {  	(tag) =	ssettag $0x2  }
0x71: {  	s0 =	rddreg [dreg:$0x0];
	s2 =	stileid.u32  }
0x72: {  	s1 =	rddreg [dreg:$0x1];
	p0 =	sne.s32 s2, $0x0  }
0x73: {  	s3 =	rddreg [dreg:$0x2];
	[bflag:$0x3] =	sbarrier.arrive $0xFFFF;
	s2 =	simm.s32 @!p0 $0x1C02  }
0x74: {  	[timem:s3], [sflag:s2] =	dma.local @!p0 [hbm:s0], s1  }
0x75: {  	s0 =	simm.s32 @!p0 $0x2  }
0x76: {  	_ =	swait.ge @!p0 [sflag:s0], s1  }
0x77: {  	s1 =	ssub.s32 @!p0 $0x0, s1;
	[sflag:s0] =	ssyncset.done @!p0 $0x0  }
0x78: {  	[sflag:s0] =	ssyncadd.s32 @!p0 s1  }
0x79: {  	[bflag:$0x3] =	sbarrier.arrive $0xFFFF  }
0x7a: {  	_ =	shalt  }

// kernel: kernel.9.cloned.1.call-start
scs
__scs_entry_jumppad:
0x0: {  	(pc) =	sbr.rel $0x88, $3  }
0x1: {  	(tag) =	ssettag $0x0;
	lr =	simm.s32 $0x1  }
0x2: {  	[smem:$0x3F9D] =	sst lr;
	_ =	strace $0xD0000000  }
0x3: {  	_ = 	snop  }
0x4: {  	_ = 	snop  }
0x5: {  	_ = 	snop  }
0x6: {  	_ = 	snop  }
0x7: {  	_ = 	snop  }
__scs_overlays_trampoline_lowered:
0x8: {  	[smem:$0x3FAC] =	sst s0  }
0x9: {  	[smem:$0x3FAD] =	sst s1  }
0xa: {  	[smem:$0x3FAE] =	sst s2  }
0xb: {  	[smem:$0x3FAF] =	sst s3  }
0xc: {  	[smem:$0x3FB0] =	sst s4  }
0xd: {  	[smem:$0x3FB1] =	sst s5  }
0xe: {  	[smem:$0x3FB2] =	sst s6  }
0xf: {  	[smem:$0x3FB3] =	sst s7  }
0x10: {  	[smem:$0x3FB4] =	sst s8  }
0x11: {  	[smem:$0x3FB5] =	sst s9;
	s0 =	simm.s32 @!p0 $0x0  }
0x12: {  	s1 =	sld [smem:$0x3F9B];
	s0 =	simm.s32 @p0 $0x1  }
0x13: {  	[smem:$0x3FB6] =	sst s0;
	s0 =	simm.s32 @!p1 $0x0  }
0x14: {  	s2 =	sld [smem:$0x3F9A];
	s0 =	simm.s32 @p1 $0x1  }
0x15: {  	[smem:$0x3FB7] =	sst s0;
	s0 =	simm.s32 @!p2 $0x0  }
0x16: {  	s3 =	sld [smem:$0x3FDB];
	s0 =	simm.s32 @p2 $0x1  }
0x17: {  	s4 =	simm.s32 $0x1BF5;
	[smem:$0x3FB9] =	sst s0  }
0x18: {  	s0 =	sld [smem:$0x3F9C];
	_ =	swait.ge [sflag:s4], $0x0  }
0x19: {  	s7 =	sld [smem:$0x3F9D]  }
0x1a: {  	s8 =	sadd.s32 $0xFFFFE003, lr  }
0x1b: {  	s9 =	sadd.s32 $0xFFFFFEF7, lr;
	s5 =	simm.s32 $0xFFFFFFFF;
	p2 =	slt.u32 s8, $0xFFFFF086  }
0x1c: {  	p1 =	slt.u32 s9, $0xF7A;
	s5 =	simm.s32 @!p2 $0x0  }
0x1d: {  	s5 =	simm.s32 @p1 $0x1;
	p0 =	seq.s32 s7, s2  }
0x1e: {  	s7 =	smul.u32 @!p0 $0xF7A, s2;
	p2 =	seq.s32 @!p0 s5, $0x0  }
0x1f: {  	s9 =	smul.u32 $0xF7A, s1;
	s8 =	simm.s32 @!p0 $0x1BF5;
	p2 =	por !p2, p0  }
0x20: {  	[sflag:s8] =	ssyncset.s32 @!p0 $0xFFFFF086;
	s6 =	sadd.s32 @!p0 s3, s7;
	s7 =	simm.s32 @!p0 $0x108  }
0x21: {  	s3 =	sadd.s32 s3, s9;
	s6 =	sadd.s32 @!p0 $0x88, s6;
	s7 =	simm.s32 @p2 $0x1082  }
0x22: {  	[simem:s7], [sflag:s8] =	dma.local @!p0 [hbm:s6], $0xF7A  }
0x23: {  	s9 =	sor.u32 $0xD0000000, s2;
	s6 =	simm.s32 $0x108;
	_ =	swait.ge @!p0 [sflag:s8], $0x0  }
0x24: {  	s3 =	sadd.s32 $0x88, s3;
	s6 =	simm.s32 @!p1 $0x1082;
	[sflag:s4] =	ssyncset.s32 $0xFFFFF086  }
0x25: {  	[simem:s6], [sflag:s4] =	dma.local [hbm:s3], $0xF7A  }
0x26: {  	[smem:$0x3F9D] =	sst s1;
	(tag) =	ssettag s2;
	_ =	strace s9  }
0x27: {  	s1 =	sld [smem:$0x3FAD]  }
0x28: {  	s2 =	sld [smem:$0x3FAE]  }
0x29: {  	s4 =	sld [smem:$0x3FB0]  }
0x2a: {  	p0 =	seq.s32 s5, $0x0;
	s5 =	sld [smem:$0x3FB1]  }
0x2b: {  	s6 =	sld [smem:$0x3FB2]  }
0x2c: {  	s7 =	sld [smem:$0x3FB3]  }
0x2d: {  	s3 =	simm.s32 $0x108;
	s8 =	sld [smem:$0x3FB4]  }
0x2e: {  	s3 =	simm.s32 @!p0 $0x1082;
	s9 =	sld [smem:$0x3FB5]  }
0x2f: {  	lr =	sadd.s32 s0, s3;
	s0 =	sld [smem:$0x3FAC]  }
0x30: {  	s3 =	sld [smem:$0x3FAF]  }
0x31: {  	[smem:$0x3FB8] =	sst s10  }
0x32: {  	s10 =	sld [smem:$0x3FB6];
	_ =	sdelay $0x3  }
0x33: {  	p0 =	seq.s32 s10, $0x1;
	s10 =	sld [smem:$0x3FB8];
	_ =	sdelay $0x3  }
0x34: {  	[smem:$0x3FB8] =	sst s10  }
0x35: {  	s10 =	sld [smem:$0x3FB7];
	_ =	sdelay $0x3  }
0x36: {  	p1 =	seq.s32 s10, $0x1;
	s10 =	sld [smem:$0x3FB8];
	_ =	sdelay $0x3  }
0x37: {  	[smem:$0x3FB8] =	sst s10  }
0x38: {  	s10 =	sld [smem:$0x3FB9]  }
0x39: {  	_ = 	snop;
	(pc) =	sbr.ind lr, $3  }
0x3a: {  	_ = 	snop  }
0x3b: {  	_ = 	snop  }
0x3c: {  	p2 =	seq.s32 s10, $0x1;
	s10 =	sld [smem:$0x3FB8]  }
0x3d: {  	_ =	shalt  }
0x3e: {  	_ =	shalt  }
0x3f: {  	_ =	shalt  }
0x40: {  	_ =	shalt  }
0x41: {  	_ =	shalt  }
0x42: {  	_ =	shalt  }
0x43: {  	_ =	shalt  }
0x44: {  	_ =	shalt  }
0x45: {  	_ =	shalt  }
0x46: {  	_ =	shalt  }
0x47: {  	_ =	shalt  }
0x48: {  	_ =	shalt  }
0x49: {  	_ =	shalt  }
0x4a: {  	_ =	shalt  }
0x4b: {  	_ =	shalt  }
0x4c: {  	_ =	shalt  }
0x4d: {  	_ =	shalt  }
0x4e: {  	_ =	shalt  }
0x4f: {  	_ =	shalt  }
0x50: {  	_ =	shalt  }
0x51: {  	_ =	shalt  }
0x52: {  	_ =	shalt  }
0x53: {  	_ =	shalt  }
0x54: {  	_ =	shalt  }
0x55: {  	_ =	shalt  }
0x56: {  	_ =	shalt  }
0x57: {  	_ =	shalt  }
0x58: {  	_ =	shalt  }
0x59: {  	_ =	shalt  }
0x5a: {  	_ =	shalt  }
0x5b: {  	_ =	shalt  }
0x5c: {  	_ =	shalt  }
0x5d: {  	_ =	shalt  }
0x5e: {  	_ =	shalt  }
0x5f: {  	_ =	shalt  }
0x60: {  	_ =	shalt  }
0x61: {  	_ =	shalt  }
0x62: {  	_ =	shalt  }
0x63: {  	_ =	shalt  }
0x64: {  	_ =	shalt  }
0x65: {  	_ =	shalt  }
0x66: {  	_ =	shalt  }
0x67: {  	_ =	shalt  }
0x68: {  	_ =	shalt  }
0x69: {  	_ =	shalt  }
0x6a: {  	_ =	shalt  }
0x6b: {  	_ =	shalt  }
0x6c: {  	_ =	shalt  }
0x6d: {  	_ =	shalt  }
0x6e: {  	_ =	shalt  }
0x6f: {  	_ =	shalt  }
0x70: {  	_ =	shalt  }
0x71: {  	_ =	shalt  }
0x72: {  	_ =	shalt  }
0x73: {  	_ =	shalt  }
0x74: {  	_ =	shalt  }
0x75: {  	_ =	shalt  }
0x76: {  	_ =	shalt  }
0x77: {  	_ =	shalt  }
0x78: {  	_ =	shalt  }
0x79: {  	_ =	shalt  }
0x7a: {  	_ =	shalt  }
0x7b: {  	_ =	shalt  }
0x7c: {  	_ =	shalt  }
0x7d: {  	_ =	shalt  }
0x7e: {  	_ =	shalt  }
0x7f: {  	_ =	shalt  }
0x80: {  	_ =	shalt  }
0x81: {  	_ =	shalt  }
0x82: {  	_ =	shalt  }
0x83: {  	_ =	shalt  }
0x84: {  	_ =	shalt  }
0x85: {  	_ =	shalt  }
0x86: {  	_ =	shalt  }
0x87: {  	_ =	shalt  }
.Lfunc_end0:
.L_simem_size_0:
called_computation.1_lowered:
.L_overlay_start_0:
0x88: {  	s2 =	sld [smem:$0x3FD9]  }
0x89: {  	s3 =	sld [smem:$0x3FFE];
	_ =	sdelay $0x1  }
0x8a: {  	s1 =	srdreg.scid  }
0x8b: {  	s0 =	sand.u32 $0x1, s1  }
0x8c: {  	s16 =	sshll.u32 s0, $0xA;
	s2 =	sadd.s32 s3, s2  }
0x8d: {  	s2 =	sadd.s32 s2, s16  }
0x8e: {  	[smem:$0x3FC4] =	sst s2  }
0x8f: {  	_ = 	snop  }
0x90: {  	(tm) =	ssettm $0x1  }
0x91: {  	s17 =	sld [smem:$0x3FFB];
	_ =	sdelay $0x3  }
0x92: {  	_ =	strace s17  }
0x93: {  	s2 =	sld [smem:$0x3FFC];
	_ =	sdelay $0x3  }
0x94: {  	_ =	strace s2  }
0x95: {  	s2 =	sld [smem:$0x3FFD];
	_ =	sdelay $0x3  }
0x96: {  	_ =	strace s2  }
0x97: {  	_ =	strace $0x8FFFFFFF  }
0x98: {  	s18 =	sld [smem:$0x3FDB];
	_ =	sdelay $0x1  }
0x99: {  	s19 =	simm.s32 $_scs_section_size  }
0x9a: {  	s4 =	simm.s32 $_size__tile_overlayer_lowered;
	s5 =	simm.s32 $_tile_overlayer_lowered  }
0x9b: {  	s22 =	simm.s32 $0x1BFF;
	s21 =	sshll.u32 s5, $0x1;
	s2 =	sadd.s32 s19, s18  }
0x9c: {  	s6 =	simm.s32 $0x0;
	s20 =	sshll.u32 s4, $0x1;
	s4 =	sadd.s32 s21, s2  }
0x9d: {  	[timem:s6], [sflag:s22] =	dma.local [hbm:s4], s20  }
0x9e: {  	_ =	swait.ge [sflag:s22], s20  }
0x9f: {  	s3 =	ssub.s32 $0x0, s20;
	[sflag:s22] =	ssyncset.done $0x0  }
0xa0: {  	[sflag:s22] =	ssyncadd.s32 s3;
	_ =	sdelay $0x1  }
0xa1: {  	s23 =	simm.s32 $0x1B8B  }
0xa2: {  	_ =	swait.ge [sflag:s23], $0x1  }
0xa3: {  	[sflag:s23] =	ssyncset.done $0x0  }
0xa4: {  	s25 =	simm.s32 $0x1B8E;
	s24 =	sld [smem:$0x3FFE];
	[sflag:s23] =	ssyncadd.s32 $0xFFFFFFFF  }
0xa5: {  	s26 =	simm.s32 $execute0_lowered;
	[smem:$0x3FD2] =	sst s25  }
0xa6: {  	s4 =	sshll.u32 s26, $0x1;
	_ =	strace $0x80000049;
	[dreg:$0x1] =	wrdreg $0xFFFFFFFF  }
0xa7: {  	s28 =	simm.s32 $_size_execute0_lowered;
	s2 =	sadd.s32 s2, s4;
	[dreg:$0x0] =	wrdreg $0x0  }
0xa8: {  	s4 =	sshll.u32 s28, $0x1;
	[dreg:$0x2] =	wrdreg s2  }
0xa9: {  	[dreg:$0x3] =	wrdreg s4  }
0xaa: {  	[dreg:$0x4] =	wrdreg $0xC0  }
0xab: {  	_ =	task [dreg:s6], $0x5FFFF  }
0xac: {  	[dreg:$0x1] =	wrdreg $0xFFFFFFFF  }
0xad: {  	[dreg:$0x0] =	wrdreg $0x60  }
0xae: {  	[dreg:$0x2] =	wrdreg s24  }
0xaf: {  	[dreg:$0x3] =	wrdreg $0xAF800  }
0xb0: {  	[dreg:$0x4] =	wrdreg $0x9  }
0xb1: {  	_ =	task.clear_ibuf [dreg:s6], $0x5FFFF;
	_ =	strace $0x90000049  }
0xb2: {  	s29 =	simm.s32 $0x9;
	_ =	strace $0x8000004B  }
0xb3: {  	_ =	swait.ge [sflag:s29], $0x1  }
0xb4: {  	[sflag:s29] =	ssyncadd.s32 $0xFFFFFFFF  }
0xb5: {  	_ =	strace $0x9000004B  }
0xb6: {  	_ =	sfence  }
0xb7: {  	s30 =	sld [smem:$0x0];
	_ =	sdelay $0x2  }
0xb8: {  	s31 =	sshll.u32 s1, $0xD;
	s1 =	sshrl.u32 s1, $0x2  }
0xb9: {  	s3 =	sand.u32 $0x4000, s31;
	s1 =	sadd.s32 s1, s30  }
0xba: {  	s0 =	sor.u32 s3, s0;
	s1 =	sshll.u32 s1, $0x11  }
0xbb: {  	s0 =	sor.u32 s1, s0  }
0xbc: {  	s0 =	sadd.s32 $0x8F2B, s0  }
0xbd: {  	[sflag:s0] =	ssyncadd.remote.s32 $0x1  }
0xbe: {  	_ =	sfence.sel $0xFFFF  }
0xbf: {  	[dreg:$0x0] =	wrdreg $0xFFFFFFFF;
	(pc) =	sbr.abs _section_cstart, $3  }
0xc0: {  	[dreg:$0x1] =	wrdreg $0xFFFFFFFF  }
0xc1: {  	_ =	task.clear_ibuf [dreg:s6], $0x2FFFF;
	_ =	strace $0x9FFFFFFF  }
0xc2: {  	(tm) =	ssettm $0x7FFFFFFF  }
0xc3: {  	_ =	shalt  }
tec
execute0_lowered:
.L_overlay_start_1:
0x0: {  	(tag) =	ssettag $0x1  }
0x1: {  	s1 =	srdreg.scid  }
0x2: {  	s0 =	stileid.u32;
	s3 =	rddreg [dreg:$0x0]  }
0x3: {  	s7 =	simm.s32 $0x0;
	s29 =	simm.s32 $0x30;
	s30 =	simm.s32 $0x6780  }
0x4: {  	s31 =	simm.s32 $0x60;
	s1 =	sand.u32 $0x1, s1;
	s6 =	smul.u32 $0x14000, s0  }
0x5: {  	s2 =	sshll.u32 s0, $0x1;
	[smem:$0x7FF] =	sst s7;
	s5 =	smul.u32 $0x140000, s1  }
0x6: {  	s9 =	smul.u32 $0x50000, s0;
	s7 =	simm.s32 $0x9780;
	s2 =	sor.u32 s1, s2  }
0x7: {  	s4 =	smul.u32 $0x4F8, s2;
	s2 =	rddreg [dreg:$0x1];
	s11 =	sadd.s32 s6, s5  }
0x8: {  	s13 =	sshrl.u32 s9, $0x2;
	s14 =	sshrl.u32 s6, $0x3;
	s5 =	sshrl.u32 s11, $0x3  }
0x9: {  	s10 =	sadd.s32 s4, s3;
	s4 =	sadd.s32 $0x1F200, s3;
	s3 =	sadd.s32 s5, s3  }
0xa: {  	s5 =	sadd.s32 s6, s2;
	s6 =	sadd.s32 s13, s2;
	s15 =	sadd.s32 s4, s14  }
0xb: {  	_ =	strace $0x8000004A;
	[dreg:$0x3] =	wrdreg s15;
	s16 =	sadd.s32 $0x1800, s6  }
0xc: {  	s8 =	ssub.s32 $0x2, s1;
	s17 =	sadd.s32 $0x3000, s6;
	[dreg:$0x4] =	wrdreg s16  }
0xd: {  	p0 =	seq.s32 s1, $0x1;
	s18 =	sadd.s32 $0x4800, s6;
	[dreg:$0x5] =	wrdreg s17  }
0xe: {  	s1 =	simm.s32 $0x7F80;
	s19 =	sadd.s32 $0x6000, s6;
	[dreg:$0x6] =	wrdreg s18  }
0xf: {  	s12 =	sshrl.u32 s8, $0x1;
	s20 =	sadd.s32 $0x7800, s6;
	[dreg:$0x7] =	wrdreg s19  }
0x10: {  	s9 =	simm.s32 $0x2;
	s21 =	sadd.s32 $0x9000, s6;
	[dreg:$0x8] =	wrdreg s20  }
0x11: {  	s8 =	ssub.s32 s8, s12;
	s22 =	sadd.s32 $0xA800, s6;
	[dreg:$0x9] =	wrdreg s21  }
0x12: {  	s12 =	simm.s32 $0x4EC0;
	s23 =	sadd.s32 $0xC000, s6;
	[dreg:$0xa] =	wrdreg s22  }
0x13: {  	s11 =	simm.s32 $0x4;
	s24 =	sadd.s32 $0xD800, s6;
	[dreg:$0xb] =	wrdreg s23  }
0x14: {  	s13 =	simm.s32 $0x4EF0;
	s25 =	sadd.s32 $0xF000, s6;
	[dreg:$0xc] =	wrdreg s24  }
0x15: {  	s14 =	simm.s32 $0x4F20;
	s26 =	sadd.s32 $0x10800, s6;
	[dreg:$0xd] =	wrdreg s25  }
0x16: {  	s28 =	sadd.s32 $0x12000, s6;
	s15 =	simm.s32 $0x4F50;
	[dreg:$0xe] =	wrdreg s26  }
0x17: {  	[dreg:$0xf] =	wrdreg s28;
	s20 =	sadd.s32 $0x13800, s6;
	s21 =	sadd.s32 $0x15200, s10  }
0x18: {  	s22 =	sadd.s32 $0xB200, s10;
	s23 =	sadd.s32 $0x47200, s3;
	s24 =	smax.u32 s8, $0x1  }
0x19: {  	s25 =	simm.s32 $0x4F80;
	s26 =	simm.s32 $0x5;
	s3 =	simm.s32 $0x90  }
0x1a: {  	v0 =	vimm.f32 $0.0e+00;
	s8 =	simm.s32 $0x1;
	s10 =	simm.s32 $0x3;
	s16 =	simm.s32 $0x0  }
.LBB2_1:
.Ltmp0:
0x1b: {  	(pc) =	sbr.rel @!p0 .LBB2_2-.Ltmp0, $1  }
0x1c: {  	_ =	sdelay $0x3  }
0x1d: {  	s18 =	simm.s32 $0x0  }
0x1e: {  	s17 =	sand.u32 $0x7E00, s18  }
0x1f: {  	s18 =	sand.u32 $0x70, s18;
	s28 =	sshrl.u32 s17, $0x2  }
0x20: {  	s17 =	simm.s32 $0x40;
	s18 =	sor.u32 s18, s28;
	s28 =	simm.s32 $0x0  }
.LBB2_4:
0x21: {  	p1 =	sne.s32 s17, $0x5FC0  }
0x22: {  	[tilespmem:s18+$0x4F80] =	vst v0;
	s28 =	sadd.s32 $0x10, s28;
	s18 =	smov.u32 s17;
	s17 =	sadd.s32 $0x40, s17  }
.Ltmp1:
0x23: {  	(pc) =	sbr.rel @p1 .LBB2_4-.Ltmp1, $4  }
0x24: {  	_ = 	snop  }
0x25: {  	s18 =	sand.u32 $0x7E00, s18  }
0x26: {  	s19 =	sand.u32 $0x70, s28;
	s18 =	sshrl.u32 s18, $0x2  }
0x27: {  	s18 =	sor.u32 s19, s18  }
0x28: {  	[tilespmem:s18+$0x4F80] =	vst v0  }
0x29: {  	[spmem:s6] =	stream.linear.scatter [tilespmem:s25], [sflag:$0x5], $0x1800, $0x38;
	[tilespmem:$0x1EF80] =	vst v63  }
0x2a: {  	_ =	swait.ge [sflag:s26], $0x1800  }
0x2b: {  	[sflag:s26] =	ssyncset.done $0x0  }
0x2c: {  	s17 =	rddreg [dreg:$0x4];
	[sflag:s26] =	ssyncadd.s32 $0xFFFFE800  }
0x2d: {  	[spmem:s17] =	stream.linear.scatter [tilespmem:s25], [sflag:$0x5], $0x1800, $0x38;
	[tilespmem:$0x1EF80] =	vst v63  }
0x2e: {  	_ =	swait.ge [sflag:s26], $0x1800  }
0x2f: {  	[sflag:s26] =	ssyncset.done $0x0  }
0x30: {  	s19 =	rddreg [dreg:$0x5];
	[sflag:s26] =	ssyncadd.s32 $0xFFFFE800  }
0x31: {  	[spmem:s19] =	stream.linear.scatter [tilespmem:s25], [sflag:$0x5], $0x1800, $0x38;
	[tilespmem:$0x1EF80] =	vst v63  }
0x32: {  	_ =	swait.ge [sflag:s26], $0x1800  }
0x33: {  	[sflag:s26] =	ssyncset.done $0x0  }
0x34: {  	s28 =	rddreg [dreg:$0x6];
	[sflag:s26] =	ssyncadd.s32 $0xFFFFE800  }
0x35: {  	[spmem:s28] =	stream.linear.scatter [tilespmem:s25], [sflag:$0x5], $0x1800, $0x38;
	[tilespmem:$0x1EF80] =	vst v63  }
0x36: {  	_ =	swait.ge [sflag:s26], $0x1800  }
0x37: {  	[sflag:s26] =	ssyncset.done $0x0  }
0x38: {  	s18 =	rddreg [dreg:$0x7];
	[sflag:s26] =	ssyncadd.s32 $0xFFFFE800  }
0x39: {  	[spmem:s18] =	stream.linear.scatter [tilespmem:s25], [sflag:$0x5], $0x1800, $0x38;
	[tilespmem:$0x1EF80] =	vst v63  }
0x3a: {  	_ =	swait.ge [sflag:s26], $0x1800  }
0x3b: {  	[sflag:s26] =	ssyncset.done $0x0  }
0x3c: {  	s19 =	rddreg [dreg:$0x8];
	[sflag:s26] =	ssyncadd.s32 $0xFFFFE800  }
0x3d: {  	[spmem:s19] =	stream.linear.scatter [tilespmem:s25], [sflag:$0x5], $0x1800, $0x38;
	[tilespmem:$0x1EF80] =	vst v63  }
0x3e: {  	_ =	swait.ge [sflag:s26], $0x1800  }
0x3f: {  	[sflag:s26] =	ssyncset.done $0x0  }
0x40: {  	s28 =	rddreg [dreg:$0x9];
	[sflag:s26] =	ssyncadd.s32 $0xFFFFE800  }
0x41: {  	[spmem:s28] =	stream.linear.scatter [tilespmem:s25], [sflag:$0x5], $0x1800, $0x38;
	[tilespmem:$0x1EF80] =	vst v63  }
0x42: {  	_ =	swait.ge [sflag:s26], $0x1800  }
0x43: {  	[sflag:s26] =	ssyncset.done $0x0  }
0x44: {  	s18 =	rddreg [dreg:$0xa];
	[sflag:s26] =	ssyncadd.s32 $0xFFFFE800  }
0x45: {  	[spmem:s18] =	stream.linear.scatter [tilespmem:s25], [sflag:$0x5], $0x1800, $0x38;
	[tilespmem:$0x1EF80] =	vst v63  }
0x46: {  	_ =	swait.ge [sflag:s26], $0x1800  }
0x47: {  	[sflag:s26] =	ssyncset.done $0x0  }
0x48: {  	s19 =	rddreg [dreg:$0xb];
	[sflag:s26] =	ssyncadd.s32 $0xFFFFE800  }
0x49: {  	[spmem:s19] =	stream.linear.scatter [tilespmem:s25], [sflag:$0x5], $0x1800, $0x38;
	[tilespmem:$0x1EF80] =	vst v63  }
0x4a: {  	_ =	swait.ge [sflag:s26], $0x1800  }
0x4b: {  	[sflag:s26] =	ssyncset.done $0x0  }
0x4c: {  	s28 =	rddreg [dreg:$0xc];
	[sflag:s26] =	ssyncadd.s32 $0xFFFFE800  }
0x4d: {  	[spmem:s28] =	stream.linear.scatter [tilespmem:s25], [sflag:$0x5], $0x1800, $0x38;
	[tilespmem:$0x1EF80] =	vst v63  }
0x4e: {  	_ =	swait.ge [sflag:s26], $0x1800  }
0x4f: {  	[sflag:s26] =	ssyncset.done $0x0  }
0x50: {  	s18 =	rddreg [dreg:$0xd];
	[sflag:s26] =	ssyncadd.s32 $0xFFFFE800  }
0x51: {  	[spmem:s18] =	stream.linear.scatter [tilespmem:s25], [sflag:$0x5], $0x1800, $0x38;
	[tilespmem:$0x1EF80] =	vst v63  }
0x52: {  	_ =	swait.ge [sflag:s26], $0x1800  }
0x53: {  	[sflag:s26] =	ssyncset.done $0x0  }
0x54: {  	s19 =	rddreg [dreg:$0xe];
	[sflag:s26] =	ssyncadd.s32 $0xFFFFE800  }
0x55: {  	[spmem:s19] =	stream.linear.scatter [tilespmem:s25], [sflag:$0x5], $0x1800, $0x38;
	[tilespmem:$0x1EF80] =	vst v63  }
0x56: {  	_ =	swait.ge [sflag:s26], $0x1800  }
0x57: {  	[sflag:s26] =	ssyncset.done $0x0  }
0x58: {  	s28 =	rddreg [dreg:$0xf];
	[sflag:s26] =	ssyncadd.s32 $0xFFFFE800  }
0x59: {  	[spmem:s28] =	stream.linear.scatter [tilespmem:s25], [sflag:$0x5], $0x1800, $0x38;
	[tilespmem:$0x1EF80] =	vst v63  }
0x5a: {  	_ =	swait.ge [sflag:s26], $0x1800  }
0x5b: {  	[sflag:s26] =	ssyncset.done $0x0  }
.Ltmp2:
0x5c: {  	[sflag:s26] =	ssyncadd.s32 $0xFFFFE800;
	(pc) =	sbr.rel .LBB2_6-.Ltmp2, $4  }
0x5d: {  	[spmem:s20] =	stream.linear.scatter [tilespmem:s25], [sflag:$0x5], $0x800, $0x38;
	[tilespmem:$0x1EF80] =	vst v63  }
0x5e: {  	_ =	swait.ge [sflag:s26], $0x800  }
0x5f: {  	[sflag:s26] =	ssyncset.done $0x0  }
0x60: {  	[sflag:s26] =	ssyncadd.s32 $0xFFFFF800  }
.LBB2_2:
0x61: {  	s17 =	sshll.u32 s0, $0x6  }
0x62: {  	s18 =	sshrl.u32 s5, $0x3;
	s19 =	rddreg [dreg:$0x3];
	s17 =	sor.u32 $0x1C05, s17  }
0x63: {  	[spmem:s18], [sflag:s17] =	dma.local [hbm:s19], $0x2800  }
0x64: {  	_ =	swait.ge [sflag:s26], $0x2800  }
0x65: {  	[sflag:s26] =	ssyncset.done $0x0  }
0x66: {  	[sflag:s26] =	ssyncadd.s32 $0xFFFFD800  }
.LBB2_6:
0x67: {  	s17 =	simm.s32 $0x0  }
0x68: {  	[tilespmem:s17], [sflag:$0x5] =	stream.linear.gather [hbm4b:s21+s17], $0x27C0, $0x38;
	[tilespmem:$0x1EF80] =	vst v63  }
0x69: {  	_ =	swait.ge [sflag:s26], $0x27C0  }
0x6a: {  	[sflag:s26] =	ssyncset.done $0x0  }
0x6b: {  	s18 =	simm.s32 $0x27C0;
	[sflag:s26] =	ssyncadd.s32 $0xFFFFD840  }
0x6c: {  	[tilespmem:s18], [sflag:$0x5] =	stream.linear.gather [hbm4b:s22+s17], $0x27C0, $0x38;
	[tilespmem:$0x1EF80] =	vst v63  }
0x6d: {  	_ =	swait.ge [sflag:s26], $0x27C0  }
0x6e: {  	[sflag:s26] =	ssyncset.done $0x0  }
0x6f: {  	[sflag:s26] =	ssyncadd.s32 $0xFFFFD840  }
0x70: {  	[bflag:$0x0] =	sbarrier.arrive $0xFFFF  }
0x71: {  	[tilespmem:s25], [sflag:$0x1] =	stream.indirect.gather [hbm4b:s4+s29], $0x80, s17, s29, $0xb8;
	[tilespmem:$0x1EF80] =	vst v63  }
0x72: {  	_ = 	snop  }
0x73: {  	[tilespmem:s30], [sflag:$0x2] =	stream.indirect.gather [hbm4b:s4+s29], $0x80, s29, s29, $0xb8;
	[tilespmem:$0x1EF80] =	vst v63  }
0x74: {  	_ = 	snop  }
0x75: {  	[tilespmem:s1], [sflag:$0x3] =	stream.indirect.gather [hbm4b:s4+s29], $0x80, s31, s29, $0xb8;
	[tilespmem:$0x1EF80] =	vst v63  }
0x76: {  	_ = 	snop  }
0x77: {  	[tilespmem:s7], [sflag:$0x4] =	stream.indirect.gather [hbm4b:s4+s29], $0x80, s3, s29, $0xb8;
	[tilespmem:$0x1EF80] =	vst v63  }
0x78: {  	_ =	swait.ge [sflag:s8], $0x1800  }
0x79: {  	[sflag:s8] =	ssyncset.done $0x0  }
0x7a: {  	s19 =	simm.s32 $0xC0;
	[sflag:s8] =	ssyncadd.s32 $0xFFFFE800  }
0x7b: {  	[tilespmem:s25], [sflag:$0x1] =	stream.indirect.gather [hbm4b:s4+s29], $0x80, s19, s29, $0xb8;
	[tilespmem:$0x1EF80] =	vst v63  }
0x7c: {  	s28 =	simm.s32 $0x27C0  }
0x7d: {  	[spmem:s2] =	stream.indirect.scatter.add.f32 [tilespmem:s25], [sflag:$0x5], $0x80, s28, s29, $0xb8;
	[tilespmem:$0x1EF80] =	vst v63  }
0x7e: {  	_ =	swait.ge [sflag:s26], $0x1800  }
0x7f: {  	[sflag:s26] =	ssyncset.done $0x0  }
0x80: {  	[sflag:s26] =	ssyncadd.s32 $0xFFFFE800  }
0x81: {  	_ =	swait.ge [sflag:s9], $0x1800  }
0x82: {  	[sflag:s9] =	ssyncset.done $0x0  }
0x83: {  	s18 =	simm.s32 $0xF0;
	[sflag:s9] =	ssyncadd.s32 $0xFFFFE800  }
0x84: {  	[tilespmem:s30], [sflag:$0x2] =	stream.indirect.gather [hbm4b:s4+s29], $0x80, s18, s29, $0xb8;
	[tilespmem:$0x1EF80] =	vst v63  }
0x85: {  	s19 =	simm.s32 $0x27F0  }
0x86: {  	[spmem:s2] =	stream.indirect.scatter.add.f32 [tilespmem:s30], [sflag:$0x5], $0x80, s19, s29, $0xb8;
	[tilespmem:$0x1EF80] =	vst v63  }
0x87: {  	_ =	swait.ge [sflag:s26], $0x1800  }
0x88: {  	[sflag:s26] =	ssyncset.done $0x0  }
0x89: {  	[sflag:s26] =	ssyncadd.s32 $0xFFFFE800  }
0x8a: {  	_ =	swait.ge [sflag:s10], $0x1800  }
0x8b: {  	[sflag:s10] =	ssyncset.done $0x0  }
0x8c: {  	s28 =	simm.s32 $0x120;
	[sflag:s10] =	ssyncadd.s32 $0xFFFFE800  }
0x8d: {  	[tilespmem:s1], [sflag:$0x3] =	stream.indirect.gather [hbm4b:s4+s29], $0x80, s28, s29, $0xb8;
	[tilespmem:$0x1EF80] =	vst v63  }
0x8e: {  	s18 =	simm.s32 $0x2820  }
0x8f: {  	[spmem:s2] =	stream.indirect.scatter.add.f32 [tilespmem:s1], [sflag:$0x5], $0x80, s18, s29, $0xb8;
	[tilespmem:$0x1EF80] =	vst v63  }
0x90: {  	_ =	swait.ge [sflag:s26], $0x1800  }
0x91: {  	[sflag:s26] =	ssyncset.done $0x0  }
0x92: {  	[sflag:s26] =	ssyncadd.s32 $0xFFFFE800  }
0x93: {  	_ =	swait.ge [sflag:s11], $0x1800  }
0x94: {  	[sflag:s11] =	ssyncset.done $0x0  }
0x95: {  	s19 =	simm.s32 $0x150;
	[sflag:s11] =	ssyncadd.s32 $0xFFFFE800  }
0x96: {  	[tilespmem:s7], [sflag:$0x4] =	stream.indirect.gather [hbm4b:s4+s29], $0x80, s19, s29, $0xb8;
	[tilespmem:$0x1EF80] =	vst v63  }
0x97: {  	s28 =	simm.s32 $0x2850  }
0x98: {  	[spmem:s2] =	stream.indirect.scatter.add.f32 [tilespmem:s7], [sflag:$0x5], $0x80, s28, s29, $0xb8;
	[tilespmem:$0x1EF80] =	vst v63  }
0x99: {  	_ =	swait.ge [sflag:s26], $0x1800  }
0x9a: {  	s17 =	simm.s32 $0x300;
	[sflag:s26] =	ssyncset.done $0x0  }
.LBB2_7:
0x9b: {  	p1 =	sne.s32 s17, $0x9900  }
0x9c: {  	[sflag:s26] =	ssyncadd.s32 $0xFFFFE800;
	s18 =	smov.u32 s17;
	s17 =	sadd.s32 $0x300, s17  }
0x9d: {  	_ = 	snop  }
0x9e: {  	_ =	swait.ge [sflag:s8], $0x1800  }
0x9f: {  	s28 =	sshra.s32 s18, $0x2;
	[sflag:s8] =	ssyncset.done $0x0  }
0xa0: {  	s18 =	sadd.s32 $0xC0, s28;
	[sflag:s8] =	ssyncadd.s32 $0xFFFFE800  }
0xa1: {  	[tilespmem:s25], [sflag:$0x1] =	stream.indirect.gather [hbm4b:s4+s29], $0x80, s18, s29, $0xb8;
	[tilespmem:$0x1EF80] =	vst v63  }
0xa2: {  	s18 =	sadd.s32 $0x27C0, s28  }
0xa3: {  	[spmem:s2] =	stream.indirect.scatter.add.f32 [tilespmem:s25], [sflag:$0x5], $0x80, s18, s29, $0xb8;
	[tilespmem:$0x1EF80] =	vst v63  }
0xa4: {  	_ =	swait.ge [sflag:s26], $0x1800  }
0xa5: {  	[sflag:s26] =	ssyncset.done $0x0  }
0xa6: {  	[sflag:s26] =	ssyncadd.s32 $0xFFFFE800  }
0xa7: {  	_ =	swait.ge [sflag:s9], $0x1800  }
0xa8: {  	[sflag:s9] =	ssyncset.done $0x0  }
0xa9: {  	s18 =	sadd.s32 $0xF0, s28;
	[sflag:s9] =	ssyncadd.s32 $0xFFFFE800  }
0xaa: {  	[tilespmem:s30], [sflag:$0x2] =	stream.indirect.gather [hbm4b:s4+s29], $0x80, s18, s29, $0xb8;
	[tilespmem:$0x1EF80] =	vst v63  }
0xab: {  	s18 =	sadd.s32 $0x27F0, s28  }
0xac: {  	[spmem:s2] =	stream.indirect.scatter.add.f32 [tilespmem:s30], [sflag:$0x5], $0x80, s18, s29, $0xb8;
	[tilespmem:$0x1EF80] =	vst v63  }
0xad: {  	_ =	swait.ge [sflag:s26], $0x1800  }
0xae: {  	[sflag:s26] =	ssyncset.done $0x0  }
0xaf: {  	[sflag:s26] =	ssyncadd.s32 $0xFFFFE800  }
0xb0: {  	_ =	swait.ge [sflag:s10], $0x1800  }
0xb1: {  	[sflag:s10] =	ssyncset.done $0x0  }
0xb2: {  	s18 =	sadd.s32 $0x120, s28;
	[sflag:s10] =	ssyncadd.s32 $0xFFFFE800  }
0xb3: {  	[tilespmem:s1], [sflag:$0x3] =	stream.indirect.gather [hbm4b:s4+s29], $0x80, s18, s29, $0xb8;
	[tilespmem:$0x1EF80] =	vst v63  }
0xb4: {  	s18 =	sadd.s32 $0x2820, s28  }
0xb5: {  	[spmem:s2] =	stream.indirect.scatter.add.f32 [tilespmem:s1], [sflag:$0x5], $0x80, s18, s29, $0xb8;
	[tilespmem:$0x1EF80] =	vst v63  }
0xb6: {  	_ =	swait.ge [sflag:s26], $0x1800  }
0xb7: {  	[sflag:s26] =	ssyncset.done $0x0  }
0xb8: {  	[sflag:s26] =	ssyncadd.s32 $0xFFFFE800  }
0xb9: {  	_ =	swait.ge [sflag:s11], $0x1800  }
0xba: {  	[sflag:s11] =	ssyncset.done $0x0  }
0xbb: {  	s18 =	sadd.s32 $0x150, s28;
	[sflag:s11] =	ssyncadd.s32 $0xFFFFE800  }
0xbc: {  	[tilespmem:s7], [sflag:$0x4] =	stream.indirect.gather [hbm4b:s4+s29], $0x80, s18, s29, $0xb8;
	[tilespmem:$0x1EF80] =	vst v63  }
.Ltmp3:
0xbd: {  	_ = 	snop;
	(pc) =	sbr.rel @p1 .LBB2_7-.Ltmp3, $4  }
0xbe: {  	s18 =	sadd.s32 $0x2850, s28  }
0xbf: {  	[spmem:s2] =	stream.indirect.scatter.add.f32 [tilespmem:s7], [sflag:$0x5], $0x80, s18, s29, $0xb8;
	[tilespmem:$0x1EF80] =	vst v63  }
0xc0: {  	_ =	swait.ge [sflag:s26], $0x1800  }
0xc1: {  	[sflag:s26] =	ssyncset.done $0x0  }
0xc2: {  	[sflag:s26] =	ssyncadd.s32 $0xFFFFE800  }
0xc3: {  	_ =	swait.ge [sflag:s8], $0x1800  }
0xc4: {  	[sflag:s8] =	ssyncset.done $0x0  }
0xc5: {  	[sflag:s8] =	ssyncadd.s32 $0xFFFFE800  }
0xc6: {  	[spmem:s2] =	stream.indirect.scatter.add.f32 [tilespmem:s25], [sflag:$0x5], $0x80, s12, s29, $0xb8;
	[tilespmem:$0x1EF80] =	vst v63  }
0xc7: {  	_ =	swait.ge [sflag:s26], $0x1800  }
0xc8: {  	[sflag:s26] =	ssyncset.done $0x0  }
0xc9: {  	[sflag:s26] =	ssyncadd.s32 $0xFFFFE800  }
0xca: {  	_ =	swait.ge [sflag:s9], $0x1800  }
0xcb: {  	[sflag:s9] =	ssyncset.done $0x0  }
0xcc: {  	[sflag:s9] =	ssyncadd.s32 $0xFFFFE800  }
0xcd: {  	[spmem:s2] =	stream.indirect.scatter.add.f32 [tilespmem:s30], [sflag:$0x5], $0x80, s13, s29, $0xb8;
	[tilespmem:$0x1EF80] =	vst v63  }
0xce: {  	_ =	swait.ge [sflag:s26], $0x1800  }
0xcf: {  	[sflag:s26] =	ssyncset.done $0x0  }
0xd0: {  	[sflag:s26] =	ssyncadd.s32 $0xFFFFE800  }
0xd1: {  	_ =	swait.ge [sflag:s10], $0x1800  }
0xd2: {  	[sflag:s10] =	ssyncset.done $0x0  }
0xd3: {  	[sflag:s10] =	ssyncadd.s32 $0xFFFFE800  }
0xd4: {  	[spmem:s2] =	stream.indirect.scatter.add.f32 [tilespmem:s1], [sflag:$0x5], $0x80, s14, s29, $0xb8;
	[tilespmem:$0x1EF80] =	vst v63  }
0xd5: {  	_ =	swait.ge [sflag:s26], $0x1800  }
0xd6: {  	[sflag:s26] =	ssyncset.done $0x0  }
0xd7: {  	[sflag:s26] =	ssyncadd.s32 $0xFFFFE800  }
0xd8: {  	_ =	swait.ge [sflag:s11], $0x1800  }
0xd9: {  	[sflag:s11] =	ssyncset.done $0x0  }
0xda: {  	[sflag:s11] =	ssyncadd.s32 $0xFFFFE800  }
0xdb: {  	[spmem:s2] =	stream.indirect.scatter.add.f32 [tilespmem:s7], [sflag:$0x5], $0x80, s15, s29, $0xb8;
	[tilespmem:$0x1EF80] =	vst v63  }
0xdc: {  	_ =	swait.ge [sflag:s26], $0x1800  }
0xdd: {  	s17 =	sshll.u32 s0, $0x6;
	s16 =	sadd.s32 $0x1, s16;
	[sflag:s26] =	ssyncset.done $0x0  }
0xde: {  	s18 =	sshrl.u32 s5, $0x3;
	p1 =	sne.s32 s16, s24;
	[sflag:s26] =	ssyncadd.s32 $0xFFFFE800  }
.Ltmp4:
0xdf: {  	s17 =	sor.u32 $0x1C05, s17;
	[bflag:$0x0] =	sbarrier.arrive $0xFFFF;
	(pc) =	sbr.rel @p1 .LBB2_1-.Ltmp4, $4  }
0xe0: {  	[hbm:s23], [sflag:s17] =	dma.local [spmem:s18], $0x2800  }
0xe1: {  	_ =	swait.ge [sflag:s26], $0x2800  }
0xe2: {  	[sflag:s26] =	ssyncset.done $0x0  }
0xe3: {  	[sflag:s26] =	ssyncadd.s32 $0xFFFFD800  }
0xe4: {  	_ =	sfence.sel $0x180000  }
0xe5: {  	[bflag:$0x0] =	sbarrier.arrive $0xFFFF  }
0xe6: {  	_ =	strace $0x9000004A  }
0xe7: {  	[bflag:$0x2] =	sbarrier.arrive $0xFFFF  }
0xe8: {  	p0 =	sne.s32 s0, $0x0;
	s0 =	rddreg [dreg:$0x2]  }
0xe9: {  	s0 =	sadd.s32 @!p0 $0x100000, s0  }
0xea: {  	[sflag:s0] =	ssyncadd.tile.s32 @!p0 $0x1;
	_ =	shalt  }
.Lfunc_end2:
_tile_overlayer_lowered:
.L_overlay_start_2:
0xeb: {  	(tag) =	ssettag $0x2  }
0xec: {  	s0 =	rddreg [dreg:$0x0];
	s2 =	stileid.u32  }
0xed: {  	s1 =	rddreg [dreg:$0x1];
	p0 =	sne.s32 s2, $0x0  }
0xee: {  	s3 =	rddreg [dreg:$0x2];
	[bflag:$0x3] =	sbarrier.arrive $0xFFFF;
	s2 =	simm.s32 @!p0 $0x1C05  }
0xef: {  	[timem:s3], [sflag:s2] =	dma.local @!p0 [hbm:s0], s1  }
0xf0: {  	s0 =	simm.s32 @!p0 $0x5  }
0xf1: {  	_ =	swait.ge @!p0 [sflag:s0], s1  }
0xf2: {  	s1 =	ssub.s32 @!p0 $0x0, s1;
	[sflag:s0] =	ssyncset.done @!p0 $0x0  }
0xf3: {  	[sflag:s0] =	ssyncadd.s32 @!p0 s1  }
0xf4: {  	[bflag:$0x3] =	sbarrier.arrive $0xFFFF  }
0xf5: {  	_ =	shalt  }

</sc_bundles>
